<compile_context>
chip_gen: v7x
topology: tpu7x:2x2x1
jax: 0.10.2.dev20260603
libtpu: 0.0.44.dev20260713+nightly
codegen_flags: <defaults>
</compile_context>

<pallas_src>
import functools

import jax
import jax.numpy as jnp
from jax import lax
from jax.experimental import pallas as pl
from jax.experimental.pallas import tpu as pltpu
from jax.experimental.pallas import tpu_sc as plsc

N = 10000
NPAD = 10240
D_IN = 128
D_HID = 256
W = 128
CHUNK = 128
NPT = NPAD // 16
NBLK = NPT // CHUNK


def _mesh():
    return plsc.VectorSubcoreMesh(core_axis_name="c", subcore_axis_name="s")


def _fill(ref, val):
    v16 = jnp.full((16,), val, jnp.float32)

    def body(i, carry):
        for j in range(W // 16):
            ref[i, pl.ds(j * 16, 16)] = v16
        return carry

    lax.fori_loop(0, CHUNK, body, 0)


KB = 8


def _degree(dst, epad):
    ept = epad // 2 // 16
    nchunks = ept // CHUNK

    @functools.partial(
        pl.kernel,
        mesh=_mesh(),
        out_type=jax.ShapeDtypeStruct((2 * NPAD, W), jnp.float32),
        scratch_types=[
            pltpu.VMEM_SHARED((NPAD, W), jnp.float32),
            pltpu.VMEM((CHUNK, W), jnp.float32),
            pltpu.VMEM((CHUNK,), jnp.int32),
        ],
    )
    def deg_k(dst_hbm, out_hbm, acc_sh, ones_v, idx_v):
        c = lax.axis_index("c")
        s = lax.axis_index("s")
        _fill(ones_v, 0.0)
        for b in range(NBLK):
            pltpu.sync_copy(ones_v, acc_sh.at[pl.ds(s * NPT + b * CHUNK, CHUNK)])
        _fill(ones_v, 1.0)
        plsc.subcore_barrier()
        base = (c * 16 + s) * ept

        def eb(k, carry):
            pltpu.sync_copy(dst_hbm.at[pl.ds(base + k * CHUNK, CHUNK)], idx_v)
            pltpu.sync_copy(ones_v, acc_sh.at[idx_v], add=True)
            return carry

        lax.fori_loop(0, nchunks, eb, 0)
        plsc.subcore_barrier()
        for b in range(NBLK):
            r0 = s * NPT + b * CHUNK
            pltpu.sync_copy(acc_sh.at[pl.ds(r0, CHUNK)],
                            out_hbm.at[pl.ds(c * NPAD + r0, CHUNK)])

    return deg_k(dst)


def _propagate(xs_flat, src, dst, epad, feat_split):
    ept = (epad if feat_split else epad // 2) // 16
    nchunks = ept // CHUNK

    @functools.partial(
        pl.kernel,
        mesh=_mesh(),
        out_type=jax.ShapeDtypeStruct((2 * NPAD, W), jnp.float32),
        scratch_types=[
            pltpu.VMEM_SHARED((NPAD, W), jnp.float32),
            pltpu.VMEM((CHUNK, W), jnp.float32),
            pltpu.VMEM((CHUNK,), jnp.int32),
            pltpu.VMEM((CHUNK,), jnp.int32),
            pltpu.VMEM((CHUNK,), jnp.int32),
            pltpu.SemaphoreType.DMA,
        ],
    )
    def prop_k(xs_hbm, src_hbm, dst_hbm, out_hbm,
               acc_sh, rows_v, sidx_v, didx_v, soff_v, sem):
        c = lax.axis_index("c")
        s = lax.axis_index("s")
        _fill(rows_v, 0.0)
        for b in range(NBLK):
            pltpu.sync_copy(rows_v, acc_sh.at[pl.ds(s * NPT + b * CHUNK, CHUNK)])
        plsc.subcore_barrier()

        if feat_split:
            off = c * NPAD
            base = s * ept
        else:
            off = c * 0
            base = (c * 16 + s) * ept

        def eb(k, carry):
            e0 = base + k * CHUNK
            pltpu.sync_copy(src_hbm.at[pl.ds(e0, CHUNK)], sidx_v)
            pltpu.sync_copy(dst_hbm.at[pl.ds(e0, CHUNK)], didx_v)

            def ob(i, c2):
                sl = pl.ds(i * 16, 16)
                soff_v[sl] = sidx_v[sl] + off
                return c2

            lax.fori_loop(0, CHUNK // 16, ob, 0)
            pltpu.async_copy(xs_hbm.at[soff_v], rows_v, sem).wait()
            pltpu.sync_copy(rows_v, acc_sh.at[didx_v], add=True)
            return carry

        lax.fori_loop(0, nchunks, eb, 0)
        plsc.subcore_barrier()
        for b in range(NBLK):
            r0 = s * NPT + b * CHUNK
            pltpu.sync_copy(acc_sh.at[pl.ds(r0, CHUNK)],
                            out_hbm.at[pl.ds(c * NPAD + r0, CHUNK)])

    return prop_k(xs_flat, src, dst)


def _scale(deg_parts, x_pad):
    RB = 2048

    def body(dp_ref, x_ref, xs_ref, dinv_ref):
        deg = dp_ref[0, :, 0:1] + dp_ref[1, :, 0:1] + 1.0
        dinv = lax.rsqrt(deg)
        dinv_ref[...] = dinv
        xs_ref[...] = x_ref[...] * dinv

    return pl.pallas_call(
        body,
        grid=(NPAD // RB,),
        in_specs=[
            pl.BlockSpec((2, RB, W), lambda r: (0, r, 0)),
            pl.BlockSpec((RB, D_IN), lambda r: (r, 0)),
        ],
        out_specs=[
            pl.BlockSpec((RB, D_IN), lambda r: (r, 0)),
            pl.BlockSpec((RB, 1), lambda r: (r, 0)),
        ],
        out_shape=[
            jax.ShapeDtypeStruct((NPAD, D_IN), jnp.float32),
            jax.ShapeDtypeStruct((NPAD, 1), jnp.float32),
        ],
    )(deg_parts, x_pad)


def _layer1(s1, xs, dinv, W1, b1):
    RB = 2048

    def body(s1_ref, xs_ref, dinv_ref, w_ref, b_ref, out_ref):
        dv = dinv_ref[...]
        t = (s1_ref[0] + s1_ref[1] + xs_ref[...]) * dv
        h = jnp.dot(t, w_ref[...], preferred_element_type=jnp.float32)
        h = jnp.maximum(h + b_ref[...], 0.0) * dv
        out_ref[0] = h[:, : D_HID // 2]
        out_ref[1] = h[:, D_HID // 2:]

    return pl.pallas_call(
        body,
        grid=(NPAD // RB,),
        in_specs=[
            pl.BlockSpec((2, RB, D_IN), lambda r: (0, r, 0)),
            pl.BlockSpec((RB, D_IN), lambda r: (r, 0)),
            pl.BlockSpec((RB, 1), lambda r: (r, 0)),
            pl.BlockSpec((D_IN, D_HID), lambda r: (0, 0)),
            pl.BlockSpec((1, D_HID), lambda r: (0, 0)),
        ],
        out_specs=pl.BlockSpec((2, RB, D_HID // 2), lambda r: (0, r, 0)),
        out_shape=jax.ShapeDtypeStruct((2, NPAD, D_HID // 2), jnp.float32),
    )(s1, xs, dinv, W1, b1.reshape(1, D_HID))


def _layer2(s2, hs, dinv, W2, b2):
    RB = 2048

    def body(s2_ref, hs_ref, dinv_ref, w_ref, b_ref, out_ref):
        dv = dinv_ref[...]
        t = jnp.concatenate(
            [(s2_ref[0] + hs_ref[0]) * dv, (s2_ref[1] + hs_ref[1]) * dv],
            axis=1)
        out_ref[...] = (
            jnp.dot(t, w_ref[...], preferred_element_type=jnp.float32)
            + b_ref[...])

    return pl.pallas_call(
        body,
        grid=(NPAD // RB,),
        in_specs=[
            pl.BlockSpec((2, RB, D_HID // 2), lambda r: (0, r, 0)),
            pl.BlockSpec((2, RB, D_HID // 2), lambda r: (0, r, 0)),
            pl.BlockSpec((RB, 1), lambda r: (r, 0)),
            pl.BlockSpec((D_HID, D_HID), lambda r: (0, 0)),
            pl.BlockSpec((1, D_HID), lambda r: (0, 0)),
        ],
        out_specs=pl.BlockSpec((RB, D_HID), lambda r: (r, 0)),
        out_shape=jax.ShapeDtypeStruct((NPAD, D_HID), jnp.float32),
    )(s2, hs, dinv, W2, b2.reshape(1, D_HID))


def kernel(x, edge_index, W1, b1, W2, b2):
    e = edge_index.shape[1]
    step = 32 * CHUNK
    epad = ((e + step - 1) // step) * step
    ei = edge_index.astype(jnp.int32)
    pad = jnp.full((epad - e,), N, jnp.int32)
    src = jnp.concatenate([ei[0], pad])
    dst = jnp.concatenate([ei[1], pad])
    x_pad = jnp.pad(x, ((0, NPAD - N), (0, 0)))

    deg_parts = _degree(dst, epad).reshape(2, NPAD, W)
    xs, dinv = _scale(deg_parts, x_pad)
    s1 = _propagate(xs, src, dst, epad,
                    feat_split=False).reshape(2, NPAD, D_IN)
    hs = _layer1(s1, xs, dinv, W1, b1)
    s2 = _propagate(hs.reshape(2 * NPAD, D_HID // 2), src, dst, epad,
                    feat_split=True).reshape(2, NPAD, D_HID // 2)
    z = _layer2(s2, hs, dinv, W2, b2)
    return z[:N]

# --- scband reference (transcript-rebuilt; emitter-appended) ---
"""Pipeline reference for scband-generator-35957466202756 (READ-ONLY COPY).

The authoritative reference and input builder live on the scoring server;
editing this copy changes nothing except your own understanding.
"""

import jax, jax.numpy as jnp
import numpy as np

N_NODES = 10000

def gcn_conv(x, edge_index, W, b):
    n = x.shape[0]
    loop = jnp.arange(n, dtype=edge_index.dtype)
    src = jnp.concatenate([edge_index[0], loop])
    dst = jnp.concatenate([edge_index[1], loop])
    h = x @ W
    deg = jnp.zeros((n,), dtype=x.dtype).at[dst].add(1.0)
    dinv = jnp.where(deg > 0, jax.lax.rsqrt(deg), 0.0)
    norm = dinv[src] * dinv[dst]
    msg = h[src] * norm[:, None]
    out = jnp.zeros((n, h.shape[1]), dtype=x.dtype).at[dst].add(msg)
    return out + b

def setup_inputs(seed: int = 0) -> dict:
    key = jax.random.key(seed)
    k1, k2, k3, k4 = jax.random.split(key, 4)
    d_in, d_hid = 128, 256
    x = jax.random.normal(k1, (N_NODES, d_in), dtype=jnp.float32)
    edge_index = jax.random.randint(k2, (2, 320000), 0, N_NODES, dtype=jnp.int64)
    s1 = float(np.sqrt(6.0 / (d_in + d_hid)))
    s2 = float(np.sqrt(6.0 / (d_hid + d_hid)))
    W1 = jax.random.uniform(k3, (d_in, d_hid), minval=-s1, maxval=s1, dtype=jnp.float32)
    b1 = jnp.zeros((d_hid,), dtype=jnp.float32)
    W2 = jax.random.uniform(k4, (d_hid, d_hid), minval=-s2, maxval=s2, dtype=jnp.float32)
    b2 = jnp.zeros((d_hid,), dtype=jnp.float32)
    return {"x": x, "edge_index": edge_index, "W1": W1, "b1": b1, "W2": W2, "b2": b2}

def reference(x, edge_index, W1, b1, W2, b2):
    h = jax.nn.relu(gcn_conv(x, edge_index, W1, b1))
    z = gcn_conv(h, edge_index, W2, b2)
    return z

if __name__ == "__main__":
    import jax
    _d = setup_inputs()
    print(jax.jit(kernel)(*tuple(_d.values())))

</pallas_src>

<mosaic_0001>
#map = affine_map<(d0, d1) -> (0)>
#map1 = affine_map<(d0, d1) -> (0, 0)>
module attributes {stable_mosaic.version = 14 : i64} {
  func.func @deg_k(%arg0: i32, %arg1: i32, %arg2: memref<323584xi32, #tpu.memory_space<hbm>>, %arg3: memref<20480x128xf32, #tpu.memory_space<hbm>>, %arg4: memref<10240x128xf32, #tpu.memory_space<vmem_shared>>, %arg5: memref<128x128xf32, #tpu.memory_space<vmem>>, %arg6: memref<128xi32, #tpu.memory_space<vmem>>) attributes {dimension_semantics = [#tpu.dimension_semantics<core_parallel>, #tpu.dimension_semantics<subcore_parallel>], iteration_bounds = array<i64: 2, 16>, scalar_prefetch = 0 : i64, scratch_operands = 3 : i64, tpu.core_type = #tpu.core_type<sc_vector_subcore>, window_params = [{transform_indices = #map}, {transform_indices = #map1}]} {
    %broadcast_in_dim3A = arith.constant 0.000000e+00 : f32
    %broadcast_in_dim3A_0 = vector.broadcast %broadcast_in_dim3A : f32 to vector<16xf32>
    %scan3A = arith.constant 0 : i32
    %scan3A_1 = arith.constant 0 : i32
    %scan3A_2 = arith.constant 128 : i32
    %scan3A_3 = arith.addi %scan3A_1, %scan3A_2 : i32
    %scan3A_4 = arith.constant 1 : i32
    scf.for %scan3A_79 = %scan3A_1 to %scan3A_3 step %scan3A_4  : i32 {
      %swap3A = arith.index_cast %scan3A_79 : i32 to index
      %swap3A_80 = arith.constant 0 : index
      %swap3A_81 = tpu.vector_load %arg5[%swap3A, %swap3A_80] {strides = array<i32>} : memref<128x128xf32, #tpu.memory_space<vmem>>, vector<1x16xf32>,
      %swap3A_82 = vector.shape_cast %swap3A_81 : vector<1x16xf32> to vector<16xf32>
      %swap3A_83 = vector.shape_cast %broadcast_in_dim3A_0 : vector<16xf32> to vector<1x16xf32>
      tpu.vector_store %arg5[%swap3A, %swap3A_80], %swap3A_83 {strides = array<i32>} : memref<128x128xf32, #tpu.memory_space<vmem>>, vector<1x16xf32>,
      %swap3A_84 = arith.index_cast %scan3A_79 : i32 to index
      %swap3A_85 = arith.constant 16 : index
      %swap3A_86 = tpu.vector_load %arg5[%swap3A_84, %swap3A_85] {strides = array<i32>} : memref<128x128xf32, #tpu.memory_space<vmem>>, vector<1x16xf32>,
      %swap3A_87 = vector.shape_cast %swap3A_86 : vector<1x16xf32> to vector<16xf32>
      %swap3A_88 = vector.shape_cast %broadcast_in_dim3A_0 : vector<16xf32> to vector<1x16xf32>
      tpu.vector_store %arg5[%swap3A_84, %swap3A_85], %swap3A_88 {strides = array<i32>} : memref<128x128xf32, #tpu.memory_space<vmem>>, vector<1x16xf32>,
      %swap3A_89 = arith.index_cast %scan3A_79 : i32 to index
      %swap3A_90 = arith.constant 32 : index
      %swap3A_91 = tpu.vector_load %arg5[%swap3A_89, %swap3A_90] {strides = array<i32>} : memref<128x128xf32, #tpu.memory_space<vmem>>, vector<1x16xf32>,
      %swap3A_92 = vector.shape_cast %swap3A_91 : vector<1x16xf32> to vector<16xf32>
      %swap3A_93 = vector.shape_cast %broadcast_in_dim3A_0 : vector<16xf32> to vector<1x16xf32>
      tpu.vector_store %arg5[%swap3A_89, %swap3A_90], %swap3A_93 {strides = array<i32>} : memref<128x128xf32, #tpu.memory_space<vmem>>, vector<1x16xf32>,
      %swap3A_94 = arith.index_cast %scan3A_79 : i32 to index
      %swap3A_95 = arith.constant 48 : index
      %swap3A_96 = tpu.vector_load %arg5[%swap3A_94, %swap3A_95] {strides = array<i32>} : memref<128x128xf32, #tpu.memory_space<vmem>>, vector<1x16xf32>,
      %swap3A_97 = vector.shape_cast %swap3A_96 : vector<1x16xf32> to vector<16xf32>
      %swap3A_98 = vector.shape_cast %broadcast_in_dim3A_0 : vector<16xf32> to vector<1x16xf32>
      tpu.vector_store %arg5[%swap3A_94, %swap3A_95], %swap3A_98 {strides = array<i32>} : memref<128x128xf32, #tpu.memory_space<vmem>>, vector<1x16xf32>,
      %swap3A_99 = arith.index_cast %scan3A_79 : i32 to index
      %swap3A_100 = arith.constant 64 : index
      %swap3A_101 = tpu.vector_load %arg5[%swap3A_99, %swap3A_100] {strides = array<i32>} : memref<128x128xf32, #tpu.memory_space<vmem>>, vector<1x16xf32>,
      %swap3A_102 = vector.shape_cast %swap3A_101 : vector<1x16xf32> to vector<16xf32>
      %swap3A_103 = vector.shape_cast %broadcast_in_dim3A_0 : vector<16xf32> to vector<1x16xf32>
      tpu.vector_store %arg5[%swap3A_99, %swap3A_100], %swap3A_103 {strides = array<i32>} : memref<128x128xf32, #tpu.memory_space<vmem>>, vector<1x16xf32>,
      %swap3A_104 = arith.index_cast %scan3A_79 : i32 to index
      %swap3A_105 = arith.constant 80 : index
      %swap3A_106 = tpu.vector_load %arg5[%swap3A_104, %swap3A_105] {strides = array<i32>} : memref<128x128xf32, #tpu.memory_space<vmem>>, vector<1x16xf32>,
      %swap3A_107 = vector.shape_cast %swap3A_106 : vector<1x16xf32> to vector<16xf32>
      %swap3A_108 = vector.shape_cast %broadcast_in_dim3A_0 : vector<16xf32> to vector<1x16xf32>
      tpu.vector_store %arg5[%swap3A_104, %swap3A_105], %swap3A_108 {strides = array<i32>} : memref<128x128xf32, #tpu.memory_space<vmem>>, vector<1x16xf32>,
      %swap3A_109 = arith.index_cast %scan3A_79 : i32 to index
      %swap3A_110 = arith.constant 96 : index
      %swap3A_111 = tpu.vector_load %arg5[%swap3A_109, %swap3A_110] {strides = array<i32>} : memref<128x128xf32, #tpu.memory_space<vmem>>, vector<1x16xf32>,
      %swap3A_112 = vector.shape_cast %swap3A_111 : vector<1x16xf32> to vector<16xf32>
      %swap3A_113 = vector.shape_cast %broadcast_in_dim3A_0 : vector<16xf32> to vector<1x16xf32>
      tpu.vector_store %arg5[%swap3A_109, %swap3A_110], %swap3A_113 {strides = array<i32>} : memref<128x128xf32, #tpu.memory_space<vmem>>, vector<1x16xf32>,
      %swap3A_114 = arith.index_cast %scan3A_79 : i32 to index
      %swap3A_115 = arith.constant 112 : index
      %swap3A_116 = tpu.vector_load %arg5[%swap3A_114, %swap3A_115] {strides = array<i32>} : memref<128x128xf32, #tpu.memory_space<vmem>>, vector<1x16xf32>,
      %swap3A_117 = vector.shape_cast %swap3A_116 : vector<1x16xf32> to vector<16xf32>
      %swap3A_118 = vector.shape_cast %broadcast_in_dim3A_0 : vector<16xf32> to vector<1x16xf32>
      tpu.vector_store %arg5[%swap3A_114, %swap3A_115], %swap3A_118 {strides = array<i32>} : memref<128x128xf32, #tpu.memory_space<vmem>>, vector<1x16xf32>,
    }
    %scan3A_5 = arith.constant 128 : i32
    %mul3A = arith.constant 640 : i32
    %mul3A_6 = arith.muli %arg1, %mul3A : i32
    %add3A = arith.constant 0 : i32
    %add3A_7 = arith.addi %mul3A_6, %add3A : i32
    "tpu.region"() ({
      %run_scoped3A = tpu.sem_alloc : memref<!tpu.dma_semaphore, #tpu.memory_space<semaphore_mem>>
      %dma_start3A = arith.constant 0 : i32
      %dma_start3A_79 = tpu.memref_slice %arg4[%add3A_7, %dma_start3A] : memref<10240x128xf32, #tpu.memory_space<vmem_shared>> -> memref<128x128xf32, #tpu.memory_space<vmem_shared>>
      %dma_start3A_80 = arith.constant 0 : i32
      %dma_start3A_81 = tpu.memref_slice %arg4[%add3A_7, %dma_start3A_80] : memref<10240x128xf32, #tpu.memory_space<vmem_shared>> -> memref<128x128xf32, #tpu.memory_space<vmem_shared>>
      tpu.enqueue_dma source(%arg5 : memref<128x128xf32, #tpu.memory_space<vmem>>) target(%dma_start3A_81 : memref<128x128xf32, #tpu.memory_space<vmem_shared>>) target_semaphore(%run_scoped3A : memref<!tpu.dma_semaphore, #tpu.memory_space<semaphore_mem>>)
      %dma_wait3A = arith.constant 0 : i32
      %dma_wait3A_82 = tpu.memref_slice %arg4[%add3A_7, %dma_wait3A] : memref<10240x128xf32, #tpu.memory_space<vmem_shared>> -> memref<128x128xf32, #tpu.memory_space<vmem_shared>>
      %dma_wait3A_83 = arith.constant 0 : i32
      %dma_wait3A_84 = tpu.memref_slice %arg4[%add3A_7, %dma_wait3A_83] : memref<10240x128xf32, #tpu.memory_space<vmem_shared>> -> memref<128x128xf32, #tpu.memory_space<vmem_shared>>
      tpu.wait_dma2 semaphore(%run_scoped3A : memref<!tpu.dma_semaphore, #tpu.memory_space<semaphore_mem>>) src(%arg5 : memref<128x128xf32, #tpu.memory_space<vmem>>) dst(%dma_wait3A_84 : memref<128x128xf32, #tpu.memory_space<vmem_shared>>)
      tpu.yield
    }) : () -> ()
    %mul3A_8 = arith.constant 640 : i32
    %mul3A_9 = arith.muli %arg1, %mul3A_8 : i32
    %add3A_10 = arith.constant 128 : i32
    %add3A_11 = arith.addi %mul3A_9, %add3A_10 : i32
    "tpu.region"() ({
      %run_scoped3A = tpu.sem_alloc : memref<!tpu.dma_semaphore, #tpu.memory_space<semaphore_mem>>
      %dma_start3A = arith.constant 0 : i32
      %dma_start3A_79 = tpu.memref_slice %arg4[%add3A_11, %dma_start3A] : memref<10240x128xf32, #tpu.memory_space<vmem_shared>> -> memref<128x128xf32, #tpu.memory_space<vmem_shared>>
      %dma_start3A_80 = arith.constant 0 : i32
      %dma_start3A_81 = tpu.memref_slice %arg4[%add3A_11, %dma_start3A_80] : memref<10240x128xf32, #tpu.memory_space<vmem_shared>> -> memref<128x128xf32, #tpu.memory_space<vmem_shared>>
      tpu.enqueue_dma source(%arg5 : memref<128x128xf32, #tpu.memory_space<vmem>>) target(%dma_start3A_81 : memref<128x128xf32, #tpu.memory_space<vmem_shared>>) target_semaphore(%run_scoped3A : memref<!tpu.dma_semaphore, #tpu.memory_space<semaphore_mem>>)
      %dma_wait3A = arith.constant 0 : i32
      %dma_wait3A_82 = tpu.memref_slice %arg4[%add3A_11, %dma_wait3A] : memref<10240x128xf32, #tpu.memory_space<vmem_shared>> -> memref<128x128xf32, #tpu.memory_space<vmem_shared>>
      %dma_wait3A_83 = arith.constant 0 : i32
      %dma_wait3A_84 = tpu.memref_slice %arg4[%add3A_11, %dma_wait3A_83] : memref<10240x128xf32, #tpu.memory_space<vmem_shared>> -> memref<128x128xf32, #tpu.memory_space<vmem_shared>>
      tpu.wait_dma2 semaphore(%run_scoped3A : memref<!tpu.dma_semaphore, #tpu.memory_space<semaphore_mem>>) src(%arg5 : memref<128x128xf32, #tpu.memory_space<vmem>>) dst(%dma_wait3A_84 : memref<128x128xf32, #tpu.memory_space<vmem_shared>>)
      tpu.yield
    }) : () -> ()
    %mul3A_12 = arith.constant 640 : i32
    %mul3A_13 = arith.muli %arg1, %mul3A_12 : i32
    %add3A_14 = arith.constant 256 : i32
    %add3A_15 = arith.addi %mul3A_13, %add3A_14 : i32
    "tpu.region"() ({
      %run_scoped3A = tpu.sem_alloc : memref<!tpu.dma_semaphore, #tpu.memory_space<semaphore_mem>>
      %dma_start3A = arith.constant 0 : i32
      %dma_start3A_79 = tpu.memref_slice %arg4[%add3A_15, %dma_start3A] : memref<10240x128xf32, #tpu.memory_space<vmem_shared>> -> memref<128x128xf32, #tpu.memory_space<vmem_shared>>
      %dma_start3A_80 = arith.constant 0 : i32
      %dma_start3A_81 = tpu.memref_slice %arg4[%add3A_15, %dma_start3A_80] : memref<10240x128xf32, #tpu.memory_space<vmem_shared>> -> memref<128x128xf32, #tpu.memory_space<vmem_shared>>
      tpu.enqueue_dma source(%arg5 : memref<128x128xf32, #tpu.memory_space<vmem>>) target(%dma_start3A_81 : memref<128x128xf32, #tpu.memory_space<vmem_shared>>) target_semaphore(%run_scoped3A : memref<!tpu.dma_semaphore, #tpu.memory_space<semaphore_mem>>)
      %dma_wait3A = arith.constant 0 : i32
      %dma_wait3A_82 = tpu.memref_slice %arg4[%add3A_15, %dma_wait3A] : memref<10240x128xf32, #tpu.memory_space<vmem_shared>> -> memref<128x128xf32, #tpu.memory_space<vmem_shared>>
      %dma_wait3A_83 = arith.constant 0 : i32
      %dma_wait3A_84 = tpu.memref_slice %arg4[%add3A_15, %dma_wait3A_83] : memref<10240x128xf32, #tpu.memory_space<vmem_shared>> -> memref<128x128xf32, #tpu.memory_space<vmem_shared>>
      tpu.wait_dma2 semaphore(%run_scoped3A : memref<!tpu.dma_semaphore, #tpu.memory_space<semaphore_mem>>) src(%arg5 : memref<128x128xf32, #tpu.memory_space<vmem>>) dst(%dma_wait3A_84 : memref<128x128xf32, #tpu.memory_space<vmem_shared>>)
      tpu.yield
    }) : () -> ()
    %mul3A_16 = arith.constant 640 : i32
    %mul3A_17 = arith.muli %arg1, %mul3A_16 : i32
    %add3A_18 = arith.constant 384 : i32
    %add3A_19 = arith.addi %mul3A_17, %add3A_18 : i32
    "tpu.region"() ({
      %run_scoped3A = tpu.sem_alloc : memref<!tpu.dma_semaphore, #tpu.memory_space<semaphore_mem>>
      %dma_start3A = arith.constant 0 : i32
      %dma_start3A_79 = tpu.memref_slice %arg4[%add3A_19, %dma_start3A] : memref<10240x128xf32, #tpu.memory_space<vmem_shared>> -> memref<128x128xf32, #tpu.memory_space<vmem_shared>>
      %dma_start3A_80 = arith.constant 0 : i32
      %dma_start3A_81 = tpu.memref_slice %arg4[%add3A_19, %dma_start3A_80] : memref<10240x128xf32, #tpu.memory_space<vmem_shared>> -> memref<128x128xf32, #tpu.memory_space<vmem_shared>>
      tpu.enqueue_dma source(%arg5 : memref<128x128xf32, #tpu.memory_space<vmem>>) target(%dma_start3A_81 : memref<128x128xf32, #tpu.memory_space<vmem_shared>>) target_semaphore(%run_scoped3A : memref<!tpu.dma_semaphore, #tpu.memory_space<semaphore_mem>>)
      %dma_wait3A = arith.constant 0 : i32
      %dma_wait3A_82 = tpu.memref_slice %arg4[%add3A_19, %dma_wait3A] : memref<10240x128xf32, #tpu.memory_space<vmem_shared>> -> memref<128x128xf32, #tpu.memory_space<vmem_shared>>
      %dma_wait3A_83 = arith.constant 0 : i32
      %dma_wait3A_84 = tpu.memref_slice %arg4[%add3A_19, %dma_wait3A_83] : memref<10240x128xf32, #tpu.memory_space<vmem_shared>> -> memref<128x128xf32, #tpu.memory_space<vmem_shared>>
      tpu.wait_dma2 semaphore(%run_scoped3A : memref<!tpu.dma_semaphore, #tpu.memory_space<semaphore_mem>>) src(%arg5 : memref<128x128xf32, #tpu.memory_space<vmem>>) dst(%dma_wait3A_84 : memref<128x128xf32, #tpu.memory_space<vmem_shared>>)
      tpu.yield
    }) : () -> ()
    %mul3A_20 = arith.constant 640 : i32
    %mul3A_21 = arith.muli %arg1, %mul3A_20 : i32
    %add3A_22 = arith.constant 512 : i32
    %add3A_23 = arith.addi %mul3A_21, %add3A_22 : i32
    "tpu.region"() ({
      %run_scoped3A = tpu.sem_alloc : memref<!tpu.dma_semaphore, #tpu.memory_space<semaphore_mem>>
      %dma_start3A = arith.constant 0 : i32
      %dma_start3A_79 = tpu.memref_slice %arg4[%add3A_23, %dma_start3A] : memref<10240x128xf32, #tpu.memory_space<vmem_shared>> -> memref<128x128xf32, #tpu.memory_space<vmem_shared>>
      %dma_start3A_80 = arith.constant 0 : i32
      %dma_start3A_81 = tpu.memref_slice %arg4[%add3A_23, %dma_start3A_80] : memref<10240x128xf32, #tpu.memory_space<vmem_shared>> -> memref<128x128xf32, #tpu.memory_space<vmem_shared>>
      tpu.enqueue_dma source(%arg5 : memref<128x128xf32, #tpu.memory_space<vmem>>) target(%dma_start3A_81 : memref<128x128xf32, #tpu.memory_space<vmem_shared>>) target_semaphore(%run_scoped3A : memref<!tpu.dma_semaphore, #tpu.memory_space<semaphore_mem>>)
      %dma_wait3A = arith.constant 0 : i32
      %dma_wait3A_82 = tpu.memref_slice %arg4[%add3A_23, %dma_wait3A] : memref<10240x128xf32, #tpu.memory_space<vmem_shared>> -> memref<128x128xf32, #tpu.memory_space<vmem_shared>>
      %dma_wait3A_83 = arith.constant 0 : i32
      %dma_wait3A_84 = tpu.memref_slice %arg4[%add3A_23, %dma_wait3A_83] : memref<10240x128xf32, #tpu.memory_space<vmem_shared>> -> memref<128x128xf32, #tpu.memory_space<vmem_shared>>
      tpu.wait_dma2 semaphore(%run_scoped3A : memref<!tpu.dma_semaphore, #tpu.memory_space<semaphore_mem>>) src(%arg5 : memref<128x128xf32, #tpu.memory_space<vmem>>) dst(%dma_wait3A_84 : memref<128x128xf32, #tpu.memory_space<vmem_shared>>)
      tpu.yield
    }) : () -> ()
    %broadcast_in_dim3A_24 = arith.constant 1.000000e+00 : f32
    %broadcast_in_dim3A_25 = vector.broadcast %broadcast_in_dim3A_24 : f32 to vector<16xf32>
    %scan3A_26 = arith.constant 0 : i32
    %scan3A_27 = arith.constant 0 : i32
    %scan3A_28 = arith.constant 128 : i32
    %scan3A_29 = arith.addi %scan3A_27, %scan3A_28 : i32
    %scan3A_30 = arith.constant 1 : i32
    scf.for %scan3A_79 = %scan3A_27 to %scan3A_29 step %scan3A_30  : i32 {
      %swap3A = arith.index_cast %scan3A_79 : i32 to index
      %swap3A_80 = arith.constant 0 : index
      %swap3A_81 = tpu.vector_load %arg5[%swap3A, %swap3A_80] {strides = array<i32>} : memref<128x128xf32, #tpu.memory_space<vmem>>, vector<1x16xf32>,
      %swap3A_82 = vector.shape_cast %swap3A_81 : vector<1x16xf32> to vector<16xf32>
      %swap3A_83 = vector.shape_cast %broadcast_in_dim3A_25 : vector<16xf32> to vector<1x16xf32>
      tpu.vector_store %arg5[%swap3A, %swap3A_80], %swap3A_83 {strides = array<i32>} : memref<128x128xf32, #tpu.memory_space<vmem>>, vector<1x16xf32>,
      %swap3A_84 = arith.index_cast %scan3A_79 : i32 to index
      %swap3A_85 = arith.constant 16 : index
      %swap3A_86 = tpu.vector_load %arg5[%swap3A_84, %swap3A_85] {strides = array<i32>} : memref<128x128xf32, #tpu.memory_space<vmem>>, vector<1x16xf32>,
      %swap3A_87 = vector.shape_cast %swap3A_86 : vector<1x16xf32> to vector<16xf32>
      %swap3A_88 = vector.shape_cast %broadcast_in_dim3A_25 : vector<16xf32> to vector<1x16xf32>
      tpu.vector_store %arg5[%swap3A_84, %swap3A_85], %swap3A_88 {strides = array<i32>} : memref<128x128xf32, #tpu.memory_space<vmem>>, vector<1x16xf32>,
      %swap3A_89 = arith.index_cast %scan3A_79 : i32 to index
      %swap3A_90 = arith.constant 32 : index
      %swap3A_91 = tpu.vector_load %arg5[%swap3A_89, %swap3A_90] {strides = array<i32>} : memref<128x128xf32, #tpu.memory_space<vmem>>, vector<1x16xf32>,
      %swap3A_92 = vector.shape_cast %swap3A_91 : vector<1x16xf32> to vector<16xf32>
      %swap3A_93 = vector.shape_cast %broadcast_in_dim3A_25 : vector<16xf32> to vector<1x16xf32>
      tpu.vector_store %arg5[%swap3A_89, %swap3A_90], %swap3A_93 {strides = array<i32>} : memref<128x128xf32, #tpu.memory_space<vmem>>, vector<1x16xf32>,
      %swap3A_94 = arith.index_cast %scan3A_79 : i32 to index
      %swap3A_95 = arith.constant 48 : index
      %swap3A_96 = tpu.vector_load %arg5[%swap3A_94, %swap3A_95] {strides = array<i32>} : memref<128x128xf32, #tpu.memory_space<vmem>>, vector<1x16xf32>,
      %swap3A_97 = vector.shape_cast %swap3A_96 : vector<1x16xf32> to vector<16xf32>
      %swap3A_98 = vector.shape_cast %broadcast_in_dim3A_25 : vector<16xf32> to vector<1x16xf32>
      tpu.vector_store %arg5[%swap3A_94, %swap3A_95], %swap3A_98 {strides = array<i32>} : memref<128x128xf32, #tpu.memory_space<vmem>>, vector<1x16xf32>,
      %swap3A_99 = arith.index_cast %scan3A_79 : i32 to index
      %swap3A_100 = arith.constant 64 : index
      %swap3A_101 = tpu.vector_load %arg5[%swap3A_99, %swap3A_100] {strides = array<i32>} : memref<128x128xf32, #tpu.memory_space<vmem>>, vector<1x16xf32>,
      %swap3A_102 = vector.shape_cast %swap3A_101 : vector<1x16xf32> to vector<16xf32>
      %swap3A_103 = vector.shape_cast %broadcast_in_dim3A_25 : vector<16xf32> to vector<1x16xf32>
      tpu.vector_store %arg5[%swap3A_99, %swap3A_100], %swap3A_103 {strides = array<i32>} : memref<128x128xf32, #tpu.memory_space<vmem>>, vector<1x16xf32>,
      %swap3A_104 = arith.index_cast %scan3A_79 : i32 to index
      %swap3A_105 = arith.constant 80 : index
      %swap3A_106 = tpu.vector_load %arg5[%swap3A_104, %swap3A_105] {strides = array<i32>} : memref<128x128xf32, #tpu.memory_space<vmem>>, vector<1x16xf32>,
      %swap3A_107 = vector.shape_cast %swap3A_106 : vector<1x16xf32> to vector<16xf32>
      %swap3A_108 = vector.shape_cast %broadcast_in_dim3A_25 : vector<16xf32> to vector<1x16xf32>
      tpu.vector_store %arg5[%swap3A_104, %swap3A_105], %swap3A_108 {strides = array<i32>} : memref<128x128xf32, #tpu.memory_space<vmem>>, vector<1x16xf32>,
      %swap3A_109 = arith.index_cast %scan3A_79 : i32 to index
      %swap3A_110 = arith.constant 96 : index
      %swap3A_111 = tpu.vector_load %arg5[%swap3A_109, %swap3A_110] {strides = array<i32>} : memref<128x128xf32, #tpu.memory_space<vmem>>, vector<1x16xf32>,
      %swap3A_112 = vector.shape_cast %swap3A_111 : vector<1x16xf32> to vector<16xf32>
      %swap3A_113 = vector.shape_cast %broadcast_in_dim3A_25 : vector<16xf32> to vector<1x16xf32>
      tpu.vector_store %arg5[%swap3A_109, %swap3A_110], %swap3A_113 {strides = array<i32>} : memref<128x128xf32, #tpu.memory_space<vmem>>, vector<1x16xf32>,
      %swap3A_114 = arith.index_cast %scan3A_79 : i32 to index
      %swap3A_115 = arith.constant 112 : index
      %swap3A_116 = tpu.vector_load %arg5[%swap3A_114, %swap3A_115] {strides = array<i32>} : memref<128x128xf32, #tpu.memory_space<vmem>>, vector<1x16xf32>,
      %swap3A_117 = vector.shape_cast %swap3A_116 : vector<1x16xf32> to vector<16xf32>
      %swap3A_118 = vector.shape_cast %broadcast_in_dim3A_25 : vector<16xf32> to vector<1x16xf32>
      tpu.vector_store %arg5[%swap3A_114, %swap3A_115], %swap3A_118 {strides = array<i32>} : memref<128x128xf32, #tpu.memory_space<vmem>>, vector<1x16xf32>,
    }
    %scan3A_31 = arith.constant 128 : i32
    %barrier3A = arith.constant 0 : index
    tpu.barrier barrier_id(%barrier3A)
    %mul3A_32 = arith.constant 16 : i32
    %mul3A_33 = arith.muli %arg0, %mul3A_32 : i32
    %add3A_34 = arith.addi %mul3A_33, %arg1 : i32
    %mul3A_35 = arith.constant 10112 : i32
    %mul3A_36 = arith.muli %add3A_34, %mul3A_35 : i32
    %scan3A_37 = arith.constant 0 : i32
    %scan3A_38 = arith.constant 0 : i32
    %scan3A_39 = arith.constant 79 : i32
    %scan3A_40 = arith.addi %scan3A_38, %scan3A_39 : i32
    %scan3A_41 = arith.constant 1 : i32
    scf.for %scan3A_79 = %scan3A_38 to %scan3A_40 step %scan3A_41  : i32 {
      %mul3A_80 = arith.constant 128 : i32
      %mul3A_81 = arith.muli %scan3A_79, %mul3A_80 : i32
      %add3A_82 = arith.addi %mul3A_36, %mul3A_81 : i32
      "tpu.region"() ({
        %run_scoped3A = tpu.sem_alloc : memref<!tpu.dma_semaphore, #tpu.memory_space<semaphore_mem>>
        %dma_start3A = tpu.memref_slice %arg2[%add3A_82] : memref<323584xi32, #tpu.memory_space<hbm>> -> memref<128xi32, #tpu.memory_space<hbm>>
        %dma_start3A_83 = tpu.memref_slice %arg2[%add3A_82] : memref<323584xi32, #tpu.memory_space<hbm>> -> memref<128xi32, #tpu.memory_space<hbm>>
        tpu.enqueue_dma source(%dma_start3A_83 : memref<128xi32, #tpu.memory_space<hbm>>) target(%arg6 : memref<128xi32, #tpu.memory_space<vmem>>) target_semaphore(%run_scoped3A : memref<!tpu.dma_semaphore, #tpu.memory_space<semaphore_mem>>)
        %dma_wait3A = tpu.memref_slice %arg2[%add3A_82] : memref<323584xi32, #tpu.memory_space<hbm>> -> memref<128xi32, #tpu.memory_space<hbm>>
        %dma_wait3A_84 = tpu.memref_slice %arg2[%add3A_82] : memref<323584xi32, #tpu.memory_space<hbm>> -> memref<128xi32, #tpu.memory_space<hbm>>
        tpu.wait_dma2 semaphore(%run_scoped3A : memref<!tpu.dma_semaphore, #tpu.memory_space<semaphore_mem>>) src(%dma_wait3A_84 : memref<128xi32, #tpu.memory_space<hbm>>) dst(%arg6 : memref<128xi32, #tpu.memory_space<vmem>>)
        tpu.yield
      }) : () -> ()
      "tpu.region"() ({
        %run_scoped3A = tpu.sem_alloc : memref<!tpu.dma_semaphore, #tpu.memory_space<semaphore_mem>>
        %dma_start3A = arith.constant 0 : i32
        %dma_start3A_83 = arith.constant 0 : i32
        %dma_start3A_84 = tpu.memref_slice %arg4[%dma_start3A, %dma_start3A_83] : memref<10240x128xf32, #tpu.memory_space<vmem_shared>> -> memref<10240x128xf32, #tpu.memory_space<vmem_shared>>
        tpu.enqueue_indirect_dma source(%arg5 : memref<128x128xf32, #tpu.memory_space<vmem>>) target(%dma_start3A_84 : memref<10240x128xf32, #tpu.memory_space<vmem_shared>>) offsets(%arg6 : memref<128xi32, #tpu.memory_space<vmem>>) semaphore(%run_scoped3A : memref<!tpu.dma_semaphore, #tpu.memory_space<semaphore_mem>>) {add = true}
        %dma_wait3A = arith.constant 0 : i32
        %dma_wait3A_85 = arith.constant 0 : i32
        %dma_wait3A_86 = tpu.memref_slice %arg4[%dma_wait3A, %dma_wait3A_85] : memref<10240x128xf32, #tpu.memory_space<vmem_shared>> -> memref<10240x128xf32, #tpu.memory_space<vmem_shared>>
        tpu.wait_indirect_dma semaphore(%run_scoped3A : memref<!tpu.dma_semaphore, #tpu.memory_space<semaphore_mem>>) src(%arg5 : memref<128x128xf32, #tpu.memory_space<vmem>>) dst(%dma_wait3A_86 : memref<10240x128xf32, #tpu.memory_space<vmem_shared>>)
        tpu.yield
      }) : () -> ()
    }
    %scan3A_42 = arith.constant 79 : i32
    %barrier3A_43 = arith.constant 0 : index
    tpu.barrier barrier_id(%barrier3A_43)
    %mul3A_44 = arith.constant 640 : i32
    %mul3A_45 = arith.muli %arg1, %mul3A_44 : i32
    %add3A_46 = arith.constant 0 : i32
    %add3A_47 = arith.addi %mul3A_45, %add3A_46 : i32
    %mul3A_48 = arith.constant 10240 : i32
    %mul3A_49 = arith.muli %arg0, %mul3A_48 : i32
    %add3A_50 = arith.addi %mul3A_49, %add3A_47 : i32
    "tpu.region"() ({
      %run_scoped3A = tpu.sem_alloc : memref<!tpu.dma_semaphore, #tpu.memory_space<semaphore_mem>>
      %dma_start3A = arith.constant 0 : i32
      %dma_start3A_79 = tpu.memref_slice %arg3[%add3A_50, %dma_start3A] : memref<20480x128xf32, #tpu.memory_space<hbm>> -> memref<128x128xf32, #tpu.memory_space<hbm>>
      %dma_start3A_80 = arith.constant 0 : i32
      %dma_start3A_81 = tpu.memref_slice %arg4[%add3A_47, %dma_start3A_80] : memref<10240x128xf32, #tpu.memory_space<vmem_shared>> -> memref<128x128xf32, #tpu.memory_space<vmem_shared>>
      tpu.enqueue_dma source(%dma_start3A_81 : memref<128x128xf32, #tpu.memory_space<vmem_shared>>) target(%dma_start3A_79 : memref<128x128xf32, #tpu.memory_space<hbm>>) target_semaphore(%run_scoped3A : memref<!tpu.dma_semaphore, #tpu.memory_space<semaphore_mem>>)
      %dma_wait3A = arith.constant 0 : i32
      %dma_wait3A_82 = tpu.memref_slice %arg3[%add3A_50, %dma_wait3A] : memref<20480x128xf32, #tpu.memory_space<hbm>> -> memref<128x128xf32, #tpu.memory_space<hbm>>
      %dma_wait3A_83 = arith.constant 0 : i32
      %dma_wait3A_84 = tpu.memref_slice %arg4[%add3A_47, %dma_wait3A_83] : memref<10240x128xf32, #tpu.memory_space<vmem_shared>> -> memref<128x128xf32, #tpu.memory_space<vmem_shared>>
      tpu.wait_dma2 semaphore(%run_scoped3A : memref<!tpu.dma_semaphore, #tpu.memory_space<semaphore_mem>>) src(%dma_wait3A_84 : memref<128x128xf32, #tpu.memory_space<vmem_shared>>) dst(%dma_wait3A_82 : memref<128x128xf32, #tpu.memory_space<hbm>>)
      tpu.yield
    }) : () -> ()
    %mul3A_51 = arith.constant 640 : i32
    %mul3A_52 = arith.muli %arg1, %mul3A_51 : i32
    %add3A_53 = arith.constant 128 : i32
    %add3A_54 = arith.addi %mul3A_52, %add3A_53 : i32
    %mul3A_55 = arith.constant 10240 : i32
    %mul3A_56 = arith.muli %arg0, %mul3A_55 : i32
    %add3A_57 = arith.addi %mul3A_56, %add3A_54 : i32
    "tpu.region"() ({
      %run_scoped3A = tpu.sem_alloc : memref<!tpu.dma_semaphore, #tpu.memory_space<semaphore_mem>>
      %dma_start3A = arith.constant 0 : i32
      %dma_start3A_79 = tpu.memref_slice %arg3[%add3A_57, %dma_start3A] : memref<20480x128xf32, #tpu.memory_space<hbm>> -> memref<128x128xf32, #tpu.memory_space<hbm>>
      %dma_start3A_80 = arith.constant 0 : i32
      %dma_start3A_81 = tpu.memref_slice %arg4[%add3A_54, %dma_start3A_80] : memref<10240x128xf32, #tpu.memory_space<vmem_shared>> -> memref<128x128xf32, #tpu.memory_space<vmem_shared>>
      tpu.enqueue_dma source(%dma_start3A_81 : memref<128x128xf32, #tpu.memory_space<vmem_shared>>) target(%dma_start3A_79 : memref<128x128xf32, #tpu.memory_space<hbm>>) target_semaphore(%run_scoped3A : memref<!tpu.dma_semaphore, #tpu.memory_space<semaphore_mem>>)
      %dma_wait3A = arith.constant 0 : i32
      %dma_wait3A_82 = tpu.memref_slice %arg3[%add3A_57, %dma_wait3A] : memref<20480x128xf32, #tpu.memory_space<hbm>> -> memref<128x128xf32, #tpu.memory_space<hbm>>
      %dma_wait3A_83 = arith.constant 0 : i32
      %dma_wait3A_84 = tpu.memref_slice %arg4[%add3A_54, %dma_wait3A_83] : memref<10240x128xf32, #tpu.memory_space<vmem_shared>> -> memref<128x128xf32, #tpu.memory_space<vmem_shared>>
      tpu.wait_dma2 semaphore(%run_scoped3A : memref<!tpu.dma_semaphore, #tpu.memory_space<semaphore_mem>>) src(%dma_wait3A_84 : memref<128x128xf32, #tpu.memory_space<vmem_shared>>) dst(%dma_wait3A_82 : memref<128x128xf32, #tpu.memory_space<hbm>>)
      tpu.yield
    }) : () -> ()
    %mul3A_58 = arith.constant 640 : i32
    %mul3A_59 = arith.muli %arg1, %mul3A_58 : i32
    %add3A_60 = arith.constant 256 : i32
    %add3A_61 = arith.addi %mul3A_59, %add3A_60 : i32
    %mul3A_62 = arith.constant 10240 : i32
    %mul3A_63 = arith.muli %arg0, %mul3A_62 : i32
    %add3A_64 = arith.addi %mul3A_63, %add3A_61 : i32
    "tpu.region"() ({
      %run_scoped3A = tpu.sem_alloc : memref<!tpu.dma_semaphore, #tpu.memory_space<semaphore_mem>>
      %dma_start3A = arith.constant 0 : i32
      %dma_start3A_79 = tpu.memref_slice %arg3[%add3A_64, %dma_start3A] : memref<20480x128xf32, #tpu.memory_space<hbm>> -> memref<128x128xf32, #tpu.memory_space<hbm>>
      %dma_start3A_80 = arith.constant 0 : i32
      %dma_start3A_81 = tpu.memref_slice %arg4[%add3A_61, %dma_start3A_80] : memref<10240x128xf32, #tpu.memory_space<vmem_shared>> -> memref<128x128xf32, #tpu.memory_space<vmem_shared>>
      tpu.enqueue_dma source(%dma_start3A_81 : memref<128x128xf32, #tpu.memory_space<vmem_shared>>) target(%dma_start3A_79 : memref<128x128xf32, #tpu.memory_space<hbm>>) target_semaphore(%run_scoped3A : memref<!tpu.dma_semaphore, #tpu.memory_space<semaphore_mem>>)
      %dma_wait3A = arith.constant 0 : i32
      %dma_wait3A_82 = tpu.memref_slice %arg3[%add3A_64, %dma_wait3A] : memref<20480x128xf32, #tpu.memory_space<hbm>> -> memref<128x128xf32, #tpu.memory_space<hbm>>
      %dma_wait3A_83 = arith.constant 0 : i32
      %dma_wait3A_84 = tpu.memref_slice %arg4[%add3A_61, %dma_wait3A_83] : memref<10240x128xf32, #tpu.memory_space<vmem_shared>> -> memref<128x128xf32, #tpu.memory_space<vmem_shared>>
      tpu.wait_dma2 semaphore(%run_scoped3A : memref<!tpu.dma_semaphore, #tpu.memory_space<semaphore_mem>>) src(%dma_wait3A_84 : memref<128x128xf32, #tpu.memory_space<vmem_shared>>) dst(%dma_wait3A_82 : memref<128x128xf32, #tpu.memory_space<hbm>>)
      tpu.yield
    }) : () -> ()
    %mul3A_65 = arith.constant 640 : i32
    %mul3A_66 = arith.muli %arg1, %mul3A_65 : i32
    %add3A_67 = arith.constant 384 : i32
    %add3A_68 = arith.addi %mul3A_66, %add3A_67 : i32
    %mul3A_69 = arith.constant 10240 : i32
    %mul3A_70 = arith.muli %arg0, %mul3A_69 : i32
    %add3A_71 = arith.addi %mul3A_70, %add3A_68 : i32
    "tpu.region"() ({
      %run_scoped3A = tpu.sem_alloc : memref<!tpu.dma_semaphore, #tpu.memory_space<semaphore_mem>>
      %dma_start3A = arith.constant 0 : i32
      %dma_start3A_79 = tpu.memref_slice %arg3[%add3A_71, %dma_start3A] : memref<20480x128xf32, #tpu.memory_space<hbm>> -> memref<128x128xf32, #tpu.memory_space<hbm>>
      %dma_start3A_80 = arith.constant 0 : i32
      %dma_start3A_81 = tpu.memref_slice %arg4[%add3A_68, %dma_start3A_80] : memref<10240x128xf32, #tpu.memory_space<vmem_shared>> -> memref<128x128xf32, #tpu.memory_space<vmem_shared>>
      tpu.enqueue_dma source(%dma_start3A_81 : memref<128x128xf32, #tpu.memory_space<vmem_shared>>) target(%dma_start3A_79 : memref<128x128xf32, #tpu.memory_space<hbm>>) target_semaphore(%run_scoped3A : memref<!tpu.dma_semaphore, #tpu.memory_space<semaphore_mem>>)
      %dma_wait3A = arith.constant 0 : i32
      %dma_wait3A_82 = tpu.memref_slice %arg3[%add3A_71, %dma_wait3A] : memref<20480x128xf32, #tpu.memory_space<hbm>> -> memref<128x128xf32, #tpu.memory_space<hbm>>
      %dma_wait3A_83 = arith.constant 0 : i32
      %dma_wait3A_84 = tpu.memref_slice %arg4[%add3A_68, %dma_wait3A_83] : memref<10240x128xf32, #tpu.memory_space<vmem_shared>> -> memref<128x128xf32, #tpu.memory_space<vmem_shared>>
      tpu.wait_dma2 semaphore(%run_scoped3A : memref<!tpu.dma_semaphore, #tpu.memory_space<semaphore_mem>>) src(%dma_wait3A_84 : memref<128x128xf32, #tpu.memory_space<vmem_shared>>) dst(%dma_wait3A_82 : memref<128x128xf32, #tpu.memory_space<hbm>>)
      tpu.yield
    }) : () -> ()
    %mul3A_72 = arith.constant 640 : i32
    %mul3A_73 = arith.muli %arg1, %mul3A_72 : i32
    %add3A_74 = arith.constant 512 : i32
    %add3A_75 = arith.addi %mul3A_73, %add3A_74 : i32
    %mul3A_76 = arith.constant 10240 : i32
    %mul3A_77 = arith.muli %arg0, %mul3A_76 : i32
    %add3A_78 = arith.addi %mul3A_77, %add3A_75 : i32
    "tpu.region"() ({
      %run_scoped3A = tpu.sem_alloc : memref<!tpu.dma_semaphore, #tpu.memory_space<semaphore_mem>>
      %dma_start3A = arith.constant 0 : i32
      %dma_start3A_79 = tpu.memref_slice %arg3[%add3A_78, %dma_start3A] : memref<20480x128xf32, #tpu.memory_space<hbm>> -> memref<128x128xf32, #tpu.memory_space<hbm>>
      %dma_start3A_80 = arith.constant 0 : i32
      %dma_start3A_81 = tpu.memref_slice %arg4[%add3A_75, %dma_start3A_80] : memref<10240x128xf32, #tpu.memory_space<vmem_shared>> -> memref<128x128xf32, #tpu.memory_space<vmem_shared>>
      tpu.enqueue_dma source(%dma_start3A_81 : memref<128x128xf32, #tpu.memory_space<vmem_shared>>) target(%dma_start3A_79 : memref<128x128xf32, #tpu.memory_space<hbm>>) target_semaphore(%run_scoped3A : memref<!tpu.dma_semaphore, #tpu.memory_space<semaphore_mem>>)
      %dma_wait3A = arith.constant 0 : i32
      %dma_wait3A_82 = tpu.memref_slice %arg3[%add3A_78, %dma_wait3A] : memref<20480x128xf32, #tpu.memory_space<hbm>> -> memref<128x128xf32, #tpu.memory_space<hbm>>
      %dma_wait3A_83 = arith.constant 0 : i32
      %dma_wait3A_84 = tpu.memref_slice %arg4[%add3A_75, %dma_wait3A_83] : memref<10240x128xf32, #tpu.memory_space<vmem_shared>> -> memref<128x128xf32, #tpu.memory_space<vmem_shared>>
      tpu.wait_dma2 semaphore(%run_scoped3A : memref<!tpu.dma_semaphore, #tpu.memory_space<semaphore_mem>>) src(%dma_wait3A_84 : memref<128x128xf32, #tpu.memory_space<vmem_shared>>) dst(%dma_wait3A_82 : memref<128x128xf32, #tpu.memory_space<hbm>>)
      tpu.yield
    }) : () -> ()
    return
  }
}

#map = affine_map<(d0, d1) -> (0, 0)>
#map1 = affine_map<(d0, d1) -> (0)>
module attributes {stable_mosaic.version = 14 : i64} {
  func.func @prop_k(%arg0: i32, %arg1: i32, %arg2: memref<10240x128xf32, #tpu.memory_space<hbm>>, %arg3: memref<323584xi32, #tpu.memory_space<hbm>>, %arg4: memref<323584xi32, #tpu.memory_space<hbm>>, %arg5: memref<20480x128xf32, #tpu.memory_space<hbm>>, %arg6: memref<10240x128xf32, #tpu.memory_space<vmem_shared>>, %arg7: memref<128x128xf32, #tpu.memory_space<vmem>>, %arg8: memref<128xi32, #tpu.memory_space<vmem>>, %arg9: memref<128xi32, #tpu.memory_space<vmem>>, %arg10: memref<128xi32, #tpu.memory_space<vmem>>, %arg11: memref<!tpu.dma_semaphore, #tpu.memory_space<semaphore_mem>>) attributes {dimension_semantics = [#tpu.dimension_semantics<core_parallel>, #tpu.dimension_semantics<subcore_parallel>], iteration_bounds = array<i64: 2, 16>, scalar_prefetch = 0 : i64, scratch_operands = 6 : i64, tpu.core_type = #tpu.core_type<sc_vector_subcore>, window_params = [{transform_indices = #map}, {transform_indices = #map1}, {transform_indices = #map1}, {transform_indices = #map}]} {
    %broadcast_in_dim3A = arith.constant 0.000000e+00 : f32
    %broadcast_in_dim3A_0 = vector.broadcast %broadcast_in_dim3A : f32 to vector<16xf32>
    %scan3A = arith.constant 0 : i32
    %scan3A_1 = arith.constant 0 : i32
    %scan3A_2 = arith.constant 128 : i32
    %scan3A_3 = arith.addi %scan3A_1, %scan3A_2 : i32
    %scan3A_4 = arith.constant 1 : i32
    scf.for %scan3A_73 = %scan3A_1 to %scan3A_3 step %scan3A_4  : i32 {
      %swap3A = arith.index_cast %scan3A_73 : i32 to index
      %swap3A_74 = arith.constant 0 : index
      %swap3A_75 = tpu.vector_load %arg7[%swap3A, %swap3A_74] {strides = array<i32>} : memref<128x128xf32, #tpu.memory_space<vmem>>, vector<1x16xf32>,
      %swap3A_76 = vector.shape_cast %swap3A_75 : vector<1x16xf32> to vector<16xf32>
      %swap3A_77 = vector.shape_cast %broadcast_in_dim3A_0 : vector<16xf32> to vector<1x16xf32>
      tpu.vector_store %arg7[%swap3A, %swap3A_74], %swap3A_77 {strides = array<i32>} : memref<128x128xf32, #tpu.memory_space<vmem>>, vector<1x16xf32>,
      %swap3A_78 = arith.index_cast %scan3A_73 : i32 to index
      %swap3A_79 = arith.constant 16 : index
      %swap3A_80 = tpu.vector_load %arg7[%swap3A_78, %swap3A_79] {strides = array<i32>} : memref<128x128xf32, #tpu.memory_space<vmem>>, vector<1x16xf32>,
      %swap3A_81 = vector.shape_cast %swap3A_80 : vector<1x16xf32> to vector<16xf32>
      %swap3A_82 = vector.shape_cast %broadcast_in_dim3A_0 : vector<16xf32> to vector<1x16xf32>
      tpu.vector_store %arg7[%swap3A_78, %swap3A_79], %swap3A_82 {strides = array<i32>} : memref<128x128xf32, #tpu.memory_space<vmem>>, vector<1x16xf32>,
      %swap3A_83 = arith.index_cast %scan3A_73 : i32 to index
      %swap3A_84 = arith.constant 32 : index
      %swap3A_85 = tpu.vector_load %arg7[%swap3A_83, %swap3A_84] {strides = array<i32>} : memref<128x128xf32, #tpu.memory_space<vmem>>, vector<1x16xf32>,
      %swap3A_86 = vector.shape_cast %swap3A_85 : vector<1x16xf32> to vector<16xf32>
      %swap3A_87 = vector.shape_cast %broadcast_in_dim3A_0 : vector<16xf32> to vector<1x16xf32>
      tpu.vector_store %arg7[%swap3A_83, %swap3A_84], %swap3A_87 {strides = array<i32>} : memref<128x128xf32, #tpu.memory_space<vmem>>, vector<1x16xf32>,
      %swap3A_88 = arith.index_cast %scan3A_73 : i32 to index
      %swap3A_89 = arith.constant 48 : index
      %swap3A_90 = tpu.vector_load %arg7[%swap3A_88, %swap3A_89] {strides = array<i32>} : memref<128x128xf32, #tpu.memory_space<vmem>>, vector<1x16xf32>,
      %swap3A_91 = vector.shape_cast %swap3A_90 : vector<1x16xf32> to vector<16xf32>
      %swap3A_92 = vector.shape_cast %broadcast_in_dim3A_0 : vector<16xf32> to vector<1x16xf32>
      tpu.vector_store %arg7[%swap3A_88, %swap3A_89], %swap3A_92 {strides = array<i32>} : memref<128x128xf32, #tpu.memory_space<vmem>>, vector<1x16xf32>,
      %swap3A_93 = arith.index_cast %scan3A_73 : i32 to index
      %swap3A_94 = arith.constant 64 : index
      %swap3A_95 = tpu.vector_load %arg7[%swap3A_93, %swap3A_94] {strides = array<i32>} : memref<128x128xf32, #tpu.memory_space<vmem>>, vector<1x16xf32>,
      %swap3A_96 = vector.shape_cast %swap3A_95 : vector<1x16xf32> to vector<16xf32>
      %swap3A_97 = vector.shape_cast %broadcast_in_dim3A_0 : vector<16xf32> to vector<1x16xf32>
      tpu.vector_store %arg7[%swap3A_93, %swap3A_94], %swap3A_97 {strides = array<i32>} : memref<128x128xf32, #tpu.memory_space<vmem>>, vector<1x16xf32>,
      %swap3A_98 = arith.index_cast %scan3A_73 : i32 to index
      %swap3A_99 = arith.constant 80 : index
      %swap3A_100 = tpu.vector_load %arg7[%swap3A_98, %swap3A_99] {strides = array<i32>} : memref<128x128xf32, #tpu.memory_space<vmem>>, vector<1x16xf32>,
      %swap3A_101 = vector.shape_cast %swap3A_100 : vector<1x16xf32> to vector<16xf32>
      %swap3A_102 = vector.shape_cast %broadcast_in_dim3A_0 : vector<16xf32> to vector<1x16xf32>
      tpu.vector_store %arg7[%swap3A_98, %swap3A_99], %swap3A_102 {strides = array<i32>} : memref<128x128xf32, #tpu.memory_space<vmem>>, vector<1x16xf32>,
      %swap3A_103 = arith.index_cast %scan3A_73 : i32 to index
      %swap3A_104 = arith.constant 96 : index
      %swap3A_105 = tpu.vector_load %arg7[%swap3A_103, %swap3A_104] {strides = array<i32>} : memref<128x128xf32, #tpu.memory_space<vmem>>, vector<1x16xf32>,
      %swap3A_106 = vector.shape_cast %swap3A_105 : vector<1x16xf32> to vector<16xf32>
      %swap3A_107 = vector.shape_cast %broadcast_in_dim3A_0 : vector<16xf32> to vector<1x16xf32>
      tpu.vector_store %arg7[%swap3A_103, %swap3A_104], %swap3A_107 {strides = array<i32>} : memref<128x128xf32, #tpu.memory_space<vmem>>, vector<1x16xf32>,
      %swap3A_108 = arith.index_cast %scan3A_73 : i32 to index
      %swap3A_109 = arith.constant 112 : index
      %swap3A_110 = tpu.vector_load %arg7[%swap3A_108, %swap3A_109] {strides = array<i32>} : memref<128x128xf32, #tpu.memory_space<vmem>>, vector<1x16xf32>,
      %swap3A_111 = vector.shape_cast %swap3A_110 : vector<1x16xf32> to vector<16xf32>
      %swap3A_112 = vector.shape_cast %broadcast_in_dim3A_0 : vector<16xf32> to vector<1x16xf32>
      tpu.vector_store %arg7[%swap3A_108, %swap3A_109], %swap3A_112 {strides = array<i32>} : memref<128x128xf32, #tpu.memory_space<vmem>>, vector<1x16xf32>,
    }
    %scan3A_5 = arith.constant 128 : i32
    %mul3A = arith.constant 640 : i32
    %mul3A_6 = arith.muli %arg1, %mul3A : i32
    %add3A = arith.constant 0 : i32
    %add3A_7 = arith.addi %mul3A_6, %add3A : i32
    "tpu.region"() ({
      %run_scoped3A = tpu.sem_alloc : memref<!tpu.dma_semaphore, #tpu.memory_space<semaphore_mem>>
      %dma_start3A = arith.constant 0 : i32
      %dma_start3A_73 = tpu.memref_slice %arg6[%add3A_7, %dma_start3A] : memref<10240x128xf32, #tpu.memory_space<vmem_shared>> -> memref<128x128xf32, #tpu.memory_space<vmem_shared>>
      %dma_start3A_74 = arith.constant 0 : i32
      %dma_start3A_75 = tpu.memref_slice %arg6[%add3A_7, %dma_start3A_74] : memref<10240x128xf32, #tpu.memory_space<vmem_shared>> -> memref<128x128xf32, #tpu.memory_space<vmem_shared>>
      tpu.enqueue_dma source(%arg7 : memref<128x128xf32, #tpu.memory_space<vmem>>) target(%dma_start3A_75 : memref<128x128xf32, #tpu.memory_space<vmem_shared>>) target_semaphore(%run_scoped3A : memref<!tpu.dma_semaphore, #tpu.memory_space<semaphore_mem>>)
      %dma_wait3A = arith.constant 0 : i32
      %dma_wait3A_76 = tpu.memref_slice %arg6[%add3A_7, %dma_wait3A] : memref<10240x128xf32, #tpu.memory_space<vmem_shared>> -> memref<128x128xf32, #tpu.memory_space<vmem_shared>>
      %dma_wait3A_77 = arith.constant 0 : i32
      %dma_wait3A_78 = tpu.memref_slice %arg6[%add3A_7, %dma_wait3A_77] : memref<10240x128xf32, #tpu.memory_space<vmem_shared>> -> memref<128x128xf32, #tpu.memory_space<vmem_shared>>
      tpu.wait_dma2 semaphore(%run_scoped3A : memref<!tpu.dma_semaphore, #tpu.memory_space<semaphore_mem>>) src(%arg7 : memref<128x128xf32, #tpu.memory_space<vmem>>) dst(%dma_wait3A_78 : memref<128x128xf32, #tpu.memory_space<vmem_shared>>)
      tpu.yield
    }) : () -> ()
    %mul3A_8 = arith.constant 640 : i32
    %mul3A_9 = arith.muli %arg1, %mul3A_8 : i32
    %add3A_10 = arith.constant 128 : i32
    %add3A_11 = arith.addi %mul3A_9, %add3A_10 : i32
    "tpu.region"() ({
      %run_scoped3A = tpu.sem_alloc : memref<!tpu.dma_semaphore, #tpu.memory_space<semaphore_mem>>
      %dma_start3A = arith.constant 0 : i32
      %dma_start3A_73 = tpu.memref_slice %arg6[%add3A_11, %dma_start3A] : memref<10240x128xf32, #tpu.memory_space<vmem_shared>> -> memref<128x128xf32, #tpu.memory_space<vmem_shared>>
      %dma_start3A_74 = arith.constant 0 : i32
      %dma_start3A_75 = tpu.memref_slice %arg6[%add3A_11, %dma_start3A_74] : memref<10240x128xf32, #tpu.memory_space<vmem_shared>> -> memref<128x128xf32, #tpu.memory_space<vmem_shared>>
      tpu.enqueue_dma source(%arg7 : memref<128x128xf32, #tpu.memory_space<vmem>>) target(%dma_start3A_75 : memref<128x128xf32, #tpu.memory_space<vmem_shared>>) target_semaphore(%run_scoped3A : memref<!tpu.dma_semaphore, #tpu.memory_space<semaphore_mem>>)
      %dma_wait3A = arith.constant 0 : i32
      %dma_wait3A_76 = tpu.memref_slice %arg6[%add3A_11, %dma_wait3A] : memref<10240x128xf32, #tpu.memory_space<vmem_shared>> -> memref<128x128xf32, #tpu.memory_space<vmem_shared>>
      %dma_wait3A_77 = arith.constant 0 : i32
      %dma_wait3A_78 = tpu.memref_slice %arg6[%add3A_11, %dma_wait3A_77] : memref<10240x128xf32, #tpu.memory_space<vmem_shared>> -> memref<128x128xf32, #tpu.memory_space<vmem_shared>>
      tpu.wait_dma2 semaphore(%run_scoped3A : memref<!tpu.dma_semaphore, #tpu.memory_space<semaphore_mem>>) src(%arg7 : memref<128x128xf32, #tpu.memory_space<vmem>>) dst(%dma_wait3A_78 : memref<128x128xf32, #tpu.memory_space<vmem_shared>>)
      tpu.yield
    }) : () -> ()
    %mul3A_12 = arith.constant 640 : i32
    %mul3A_13 = arith.muli %arg1, %mul3A_12 : i32
    %add3A_14 = arith.constant 256 : i32
    %add3A_15 = arith.addi %mul3A_13, %add3A_14 : i32
    "tpu.region"() ({
      %run_scoped3A = tpu.sem_alloc : memref<!tpu.dma_semaphore, #tpu.memory_space<semaphore_mem>>
      %dma_start3A = arith.constant 0 : i32
      %dma_start3A_73 = tpu.memref_slice %arg6[%add3A_15, %dma_start3A] : memref<10240x128xf32, #tpu.memory_space<vmem_shared>> -> memref<128x128xf32, #tpu.memory_space<vmem_shared>>
      %dma_start3A_74 = arith.constant 0 : i32
      %dma_start3A_75 = tpu.memref_slice %arg6[%add3A_15, %dma_start3A_74] : memref<10240x128xf32, #tpu.memory_space<vmem_shared>> -> memref<128x128xf32, #tpu.memory_space<vmem_shared>>
      tpu.enqueue_dma source(%arg7 : memref<128x128xf32, #tpu.memory_space<vmem>>) target(%dma_start3A_75 : memref<128x128xf32, #tpu.memory_space<vmem_shared>>) target_semaphore(%run_scoped3A : memref<!tpu.dma_semaphore, #tpu.memory_space<semaphore_mem>>)
      %dma_wait3A = arith.constant 0 : i32
      %dma_wait3A_76 = tpu.memref_slice %arg6[%add3A_15, %dma_wait3A] : memref<10240x128xf32, #tpu.memory_space<vmem_shared>> -> memref<128x128xf32, #tpu.memory_space<vmem_shared>>
      %dma_wait3A_77 = arith.constant 0 : i32
      %dma_wait3A_78 = tpu.memref_slice %arg6[%add3A_15, %dma_wait3A_77] : memref<10240x128xf32, #tpu.memory_space<vmem_shared>> -> memref<128x128xf32, #tpu.memory_space<vmem_shared>>
      tpu.wait_dma2 semaphore(%run_scoped3A : memref<!tpu.dma_semaphore, #tpu.memory_space<semaphore_mem>>) src(%arg7 : memref<128x128xf32, #tpu.memory_space<vmem>>) dst(%dma_wait3A_78 : memref<128x128xf32, #tpu.memory_space<vmem_shared>>)
      tpu.yield
    }) : () -> ()
    %mul3A_16 = arith.constant 640 : i32
    %mul3A_17 = arith.muli %arg1, %mul3A_16 : i32
    %add3A_18 = arith.constant 384 : i32
    %add3A_19 = arith.addi %mul3A_17, %add3A_18 : i32
    "tpu.region"() ({
      %run_scoped3A = tpu.sem_alloc : memref<!tpu.dma_semaphore, #tpu.memory_space<semaphore_mem>>
      %dma_start3A = arith.constant 0 : i32
      %dma_start3A_73 = tpu.memref_slice %arg6[%add3A_19, %dma_start3A] : memref<10240x128xf32, #tpu.memory_space<vmem_shared>> -> memref<128x128xf32, #tpu.memory_space<vmem_shared>>
      %dma_start3A_74 = arith.constant 0 : i32
      %dma_start3A_75 = tpu.memref_slice %arg6[%add3A_19, %dma_start3A_74] : memref<10240x128xf32, #tpu.memory_space<vmem_shared>> -> memref<128x128xf32, #tpu.memory_space<vmem_shared>>
      tpu.enqueue_dma source(%arg7 : memref<128x128xf32, #tpu.memory_space<vmem>>) target(%dma_start3A_75 : memref<128x128xf32, #tpu.memory_space<vmem_shared>>) target_semaphore(%run_scoped3A : memref<!tpu.dma_semaphore, #tpu.memory_space<semaphore_mem>>)
      %dma_wait3A = arith.constant 0 : i32
      %dma_wait3A_76 = tpu.memref_slice %arg6[%add3A_19, %dma_wait3A] : memref<10240x128xf32, #tpu.memory_space<vmem_shared>> -> memref<128x128xf32, #tpu.memory_space<vmem_shared>>
      %dma_wait3A_77 = arith.constant 0 : i32
      %dma_wait3A_78 = tpu.memref_slice %arg6[%add3A_19, %dma_wait3A_77] : memref<10240x128xf32, #tpu.memory_space<vmem_shared>> -> memref<128x128xf32, #tpu.memory_space<vmem_shared>>
      tpu.wait_dma2 semaphore(%run_scoped3A : memref<!tpu.dma_semaphore, #tpu.memory_space<semaphore_mem>>) src(%arg7 : memref<128x128xf32, #tpu.memory_space<vmem>>) dst(%dma_wait3A_78 : memref<128x128xf32, #tpu.memory_space<vmem_shared>>)
      tpu.yield
    }) : () -> ()
    %mul3A_20 = arith.constant 640 : i32
    %mul3A_21 = arith.muli %arg1, %mul3A_20 : i32
    %add3A_22 = arith.constant 512 : i32
    %add3A_23 = arith.addi %mul3A_21, %add3A_22 : i32
    "tpu.region"() ({
      %run_scoped3A = tpu.sem_alloc : memref<!tpu.dma_semaphore, #tpu.memory_space<semaphore_mem>>
      %dma_start3A = arith.constant 0 : i32
      %dma_start3A_73 = tpu.memref_slice %arg6[%add3A_23, %dma_start3A] : memref<10240x128xf32, #tpu.memory_space<vmem_shared>> -> memref<128x128xf32, #tpu.memory_space<vmem_shared>>
      %dma_start3A_74 = arith.constant 0 : i32
      %dma_start3A_75 = tpu.memref_slice %arg6[%add3A_23, %dma_start3A_74] : memref<10240x128xf32, #tpu.memory_space<vmem_shared>> -> memref<128x128xf32, #tpu.memory_space<vmem_shared>>
      tpu.enqueue_dma source(%arg7 : memref<128x128xf32, #tpu.memory_space<vmem>>) target(%dma_start3A_75 : memref<128x128xf32, #tpu.memory_space<vmem_shared>>) target_semaphore(%run_scoped3A : memref<!tpu.dma_semaphore, #tpu.memory_space<semaphore_mem>>)
      %dma_wait3A = arith.constant 0 : i32
      %dma_wait3A_76 = tpu.memref_slice %arg6[%add3A_23, %dma_wait3A] : memref<10240x128xf32, #tpu.memory_space<vmem_shared>> -> memref<128x128xf32, #tpu.memory_space<vmem_shared>>
      %dma_wait3A_77 = arith.constant 0 : i32
      %dma_wait3A_78 = tpu.memref_slice %arg6[%add3A_23, %dma_wait3A_77] : memref<10240x128xf32, #tpu.memory_space<vmem_shared>> -> memref<128x128xf32, #tpu.memory_space<vmem_shared>>
      tpu.wait_dma2 semaphore(%run_scoped3A : memref<!tpu.dma_semaphore, #tpu.memory_space<semaphore_mem>>) src(%arg7 : memref<128x128xf32, #tpu.memory_space<vmem>>) dst(%dma_wait3A_78 : memref<128x128xf32, #tpu.memory_space<vmem_shared>>)
      tpu.yield
    }) : () -> ()
    %barrier3A = arith.constant 0 : index
    tpu.barrier barrier_id(%barrier3A)
    %mul3A_24 = arith.constant 0 : i32
    %mul3A_25 = arith.muli %arg0, %mul3A_24 : i32
    %mul3A_26 = arith.constant 16 : i32
    %mul3A_27 = arith.muli %arg0, %mul3A_26 : i32
    %add3A_28 = arith.addi %mul3A_27, %arg1 : i32
    %mul3A_29 = arith.constant 10112 : i32
    %mul3A_30 = arith.muli %add3A_28, %mul3A_29 : i32
    %scan3A_31 = arith.constant 0 : i32
    %scan3A_32 = arith.constant 0 : i32
    %scan3A_33 = arith.constant 79 : i32
    %scan3A_34 = arith.addi %scan3A_32, %scan3A_33 : i32
    %scan3A_35 = arith.constant 1 : i32
    scf.for %scan3A_73 = %scan3A_32 to %scan3A_34 step %scan3A_35  : i32 {
      %mul3A_74 = arith.constant 128 : i32
      %mul3A_75 = arith.muli %scan3A_73, %mul3A_74 : i32
      %add3A_76 = arith.addi %mul3A_30, %mul3A_75 : i32
      "tpu.region"() ({
        %run_scoped3A = tpu.sem_alloc : memref<!tpu.dma_semaphore, #tpu.memory_space<semaphore_mem>>
        %dma_start3A_87 = tpu.memref_slice %arg3[%add3A_76] : memref<323584xi32, #tpu.memory_space<hbm>> -> memref<128xi32, #tpu.memory_space<hbm>>
        %dma_start3A_88 = tpu.memref_slice %arg3[%add3A_76] : memref<323584xi32, #tpu.memory_space<hbm>> -> memref<128xi32, #tpu.memory_space<hbm>>
        tpu.enqueue_dma source(%dma_start3A_88 : memref<128xi32, #tpu.memory_space<hbm>>) target(%arg8 : memref<128xi32, #tpu.memory_space<vmem>>) target_semaphore(%run_scoped3A : memref<!tpu.dma_semaphore, #tpu.memory_space<semaphore_mem>>)
        %dma_wait3A_89 = tpu.memref_slice %arg3[%add3A_76] : memref<323584xi32, #tpu.memory_space<hbm>> -> memref<128xi32, #tpu.memory_space<hbm>>
        %dma_wait3A_90 = tpu.memref_slice %arg3[%add3A_76] : memref<323584xi32, #tpu.memory_space<hbm>> -> memref<128xi32, #tpu.memory_space<hbm>>
        tpu.wait_dma2 semaphore(%run_scoped3A : memref<!tpu.dma_semaphore, #tpu.memory_space<semaphore_mem>>) src(%dma_wait3A_90 : memref<128xi32, #tpu.memory_space<hbm>>) dst(%arg8 : memref<128xi32, #tpu.memory_space<vmem>>)
        tpu.yield
      }) : () -> ()
      "tpu.region"() ({
        %run_scoped3A = tpu.sem_alloc : memref<!tpu.dma_semaphore, #tpu.memory_space<semaphore_mem>>
        %dma_start3A_87 = tpu.memref_slice %arg4[%add3A_76] : memref<323584xi32, #tpu.memory_space<hbm>> -> memref<128xi32, #tpu.memory_space<hbm>>
        %dma_start3A_88 = tpu.memref_slice %arg4[%add3A_76] : memref<323584xi32, #tpu.memory_space<hbm>> -> memref<128xi32, #tpu.memory_space<hbm>>
        tpu.enqueue_dma source(%dma_start3A_88 : memref<128xi32, #tpu.memory_space<hbm>>) target(%arg9 : memref<128xi32, #tpu.memory_space<vmem>>) target_semaphore(%run_scoped3A : memref<!tpu.dma_semaphore, #tpu.memory_space<semaphore_mem>>)
        %dma_wait3A_89 = tpu.memref_slice %arg4[%add3A_76] : memref<323584xi32, #tpu.memory_space<hbm>> -> memref<128xi32, #tpu.memory_space<hbm>>
        %dma_wait3A_90 = tpu.memref_slice %arg4[%add3A_76] : memref<323584xi32, #tpu.memory_space<hbm>> -> memref<128xi32, #tpu.memory_space<hbm>>
        tpu.wait_dma2 semaphore(%run_scoped3A : memref<!tpu.dma_semaphore, #tpu.memory_space<semaphore_mem>>) src(%dma_wait3A_90 : memref<128xi32, #tpu.memory_space<hbm>>) dst(%arg9 : memref<128xi32, #tpu.memory_space<vmem>>)
        tpu.yield
      }) : () -> ()
      %scan3A_77 = arith.constant 0 : i32
      %scan3A_78 = arith.constant 0 : i32
      %scan3A_79 = arith.constant 8 : i32
      %scan3A_80 = arith.addi %scan3A_78, %scan3A_79 : i32
      %scan3A_81 = arith.constant 1 : i32
      scf.for %scan3A_87 = %scan3A_78 to %scan3A_80 step %scan3A_81  : i32 {
        %mul3A_88 = arith.constant 16 : i32
        %mul3A_89 = arith.muli %scan3A_87, %mul3A_88 : i32
        %get3A = arith.index_cast %mul3A_89 : i32 to index
        %get3A_90 = tpu.vector_load %arg8[%get3A] {strides = array<i32>} : memref<128xi32, #tpu.memory_space<vmem>>, vector<16xi32>,
        %get3A_91 = vector.shape_cast %get3A_90 : vector<16xi32> to vector<16xi32>
        %add3A_92 = vector.broadcast %mul3A_25 : i32 to vector<16xi32>
        %add3A_93 = arith.addi %get3A_91, %add3A_92 : vector<16xi32>
        %swap3A = arith.index_cast %mul3A_89 : i32 to index
        %swap3A_94 = tpu.vector_load %arg10[%swap3A] {strides = array<i32>} : memref<128xi32, #tpu.memory_space<vmem>>, vector<16xi32>,
        %swap3A_95 = vector.shape_cast %swap3A_94 : vector<16xi32> to vector<16xi32>
        %swap3A_96 = vector.shape_cast %add3A_93 : vector<16xi32> to vector<16xi32>
        tpu.vector_store %arg10[%swap3A], %swap3A_96 {strides = array<i32>} : memref<128xi32, #tpu.memory_space<vmem>>, vector<16xi32>,
      }
      %scan3A_82 = arith.constant 8 : i32
      %dma_start3A = arith.constant 0 : i32
      %dma_start3A_83 = arith.constant 0 : i32
      %dma_start3A_84 = tpu.memref_slice %arg2[%dma_start3A, %dma_start3A_83] : memref<10240x128xf32, #tpu.memory_space<hbm>> -> memref<10240x128xf32, #tpu.memory_space<hbm>>
      tpu.enqueue_indirect_dma source(%dma_start3A_84 : memref<10240x128xf32, #tpu.memory_space<hbm>>) target(%arg7 : memref<128x128xf32, #tpu.memory_space<vmem>>) offsets(%arg10 : memref<128xi32, #tpu.memory_space<vmem>>) semaphore(%arg11 : memref<!tpu.dma_semaphore, #tpu.memory_space<semaphore_mem>>)
      %dma_wait3A = arith.constant 0 : i32
      %dma_wait3A_85 = arith.constant 0 : i32
      %dma_wait3A_86 = tpu.memref_slice %arg2[%dma_wait3A, %dma_wait3A_85] : memref<10240x128xf32, #tpu.memory_space<hbm>> -> memref<10240x128xf32, #tpu.memory_space<hbm>>
      tpu.wait_indirect_dma semaphore(%arg11 : memref<!tpu.dma_semaphore, #tpu.memory_space<semaphore_mem>>) src(%dma_wait3A_86 : memref<10240x128xf32, #tpu.memory_space<hbm>>) dst(%arg7 : memref<128x128xf32, #tpu.memory_space<vmem>>)
      "tpu.region"() ({
        %run_scoped3A = tpu.sem_alloc : memref<!tpu.dma_semaphore, #tpu.memory_space<semaphore_mem>>
        %dma_start3A_87 = arith.constant 0 : i32
        %dma_start3A_88 = arith.constant 0 : i32
        %dma_start3A_89 = tpu.memref_slice %arg6[%dma_start3A_87, %dma_start3A_88] : memref<10240x128xf32, #tpu.memory_space<vmem_shared>> -> memref<10240x128xf32, #tpu.memory_space<vmem_shared>>
        tpu.enqueue_indirect_dma source(%arg7 : memref<128x128xf32, #tpu.memory_space<vmem>>) target(%dma_start3A_89 : memref<10240x128xf32, #tpu.memory_space<vmem_shared>>) offsets(%arg9 : memref<128xi32, #tpu.memory_space<vmem>>) semaphore(%run_scoped3A : memref<!tpu.dma_semaphore, #tpu.memory_space<semaphore_mem>>) {add = true}
        %dma_wait3A_90 = arith.constant 0 : i32
        %dma_wait3A_91 = arith.constant 0 : i32
        %dma_wait3A_92 = tpu.memref_slice %arg6[%dma_wait3A_90, %dma_wait3A_91] : memref<10240x128xf32, #tpu.memory_space<vmem_shared>> -> memref<10240x128xf32, #tpu.memory_space<vmem_shared>>
        tpu.wait_indirect_dma semaphore(%run_scoped3A : memref<!tpu.dma_semaphore, #tpu.memory_space<semaphore_mem>>) src(%arg7 : memref<128x128xf32, #tpu.memory_space<vmem>>) dst(%dma_wait3A_92 : memref<10240x128xf32, #tpu.memory_space<vmem_shared>>)
        tpu.yield
      }) : () -> ()
    }
    %scan3A_36 = arith.constant 79 : i32
    %barrier3A_37 = arith.constant 0 : index
    tpu.barrier barrier_id(%barrier3A_37)
    %mul3A_38 = arith.constant 640 : i32
    %mul3A_39 = arith.muli %arg1, %mul3A_38 : i32
    %add3A_40 = arith.constant 0 : i32
    %add3A_41 = arith.addi %mul3A_39, %add3A_40 : i32
    %mul3A_42 = arith.constant 10240 : i32
    %mul3A_43 = arith.muli %arg0, %mul3A_42 : i32
    %add3A_44 = arith.addi %mul3A_43, %add3A_41 : i32
    "tpu.region"() ({
      %run_scoped3A = tpu.sem_alloc : memref<!tpu.dma_semaphore, #tpu.memory_space<semaphore_mem>>
      %dma_start3A = arith.constant 0 : i32
      %dma_start3A_73 = tpu.memref_slice %arg5[%add3A_44, %dma_start3A] : memref<20480x128xf32, #tpu.memory_space<hbm>> -> memref<128x128xf32, #tpu.memory_space<hbm>>
      %dma_start3A_74 = arith.constant 0 : i32
      %dma_start3A_75 = tpu.memref_slice %arg6[%add3A_41, %dma_start3A_74] : memref<10240x128xf32, #tpu.memory_space<vmem_shared>> -> memref<128x128xf32, #tpu.memory_space<vmem_shared>>
      tpu.enqueue_dma source(%dma_start3A_75 : memref<128x128xf32, #tpu.memory_space<vmem_shared>>) target(%dma_start3A_73 : memref<128x128xf32, #tpu.memory_space<hbm>>) target_semaphore(%run_scoped3A : memref<!tpu.dma_semaphore, #tpu.memory_space<semaphore_mem>>)
      %dma_wait3A = arith.constant 0 : i32
      %dma_wait3A_76 = tpu.memref_slice %arg5[%add3A_44, %dma_wait3A] : memref<20480x128xf32, #tpu.memory_space<hbm>> -> memref<128x128xf32, #tpu.memory_space<hbm>>
      %dma_wait3A_77 = arith.constant 0 : i32
      %dma_wait3A_78 = tpu.memref_slice %arg6[%add3A_41, %dma_wait3A_77] : memref<10240x128xf32, #tpu.memory_space<vmem_shared>> -> memref<128x128xf32, #tpu.memory_space<vmem_shared>>
      tpu.wait_dma2 semaphore(%run_scoped3A : memref<!tpu.dma_semaphore, #tpu.memory_space<semaphore_mem>>) src(%dma_wait3A_78 : memref<128x128xf32, #tpu.memory_space<vmem_shared>>) dst(%dma_wait3A_76 : memref<128x128xf32, #tpu.memory_space<hbm>>)
      tpu.yield
    }) : () -> ()
    %mul3A_45 = arith.constant 640 : i32
    %mul3A_46 = arith.muli %arg1, %mul3A_45 : i32
    %add3A_47 = arith.constant 128 : i32
    %add3A_48 = arith.addi %mul3A_46, %add3A_47 : i32
    %mul3A_49 = arith.constant 10240 : i32
    %mul3A_50 = arith.muli %arg0, %mul3A_49 : i32
    %add3A_51 = arith.addi %mul3A_50, %add3A_48 : i32
    "tpu.region"() ({
      %run_scoped3A = tpu.sem_alloc : memref<!tpu.dma_semaphore, #tpu.memory_space<semaphore_mem>>
      %dma_start3A = arith.constant 0 : i32
      %dma_start3A_73 = tpu.memref_slice %arg5[%add3A_51, %dma_start3A] : memref<20480x128xf32, #tpu.memory_space<hbm>> -> memref<128x128xf32, #tpu.memory_space<hbm>>
      %dma_start3A_74 = arith.constant 0 : i32
      %dma_start3A_75 = tpu.memref_slice %arg6[%add3A_48, %dma_start3A_74] : memref<10240x128xf32, #tpu.memory_space<vmem_shared>> -> memref<128x128xf32, #tpu.memory_space<vmem_shared>>
      tpu.enqueue_dma source(%dma_start3A_75 : memref<128x128xf32, #tpu.memory_space<vmem_shared>>) target(%dma_start3A_73 : memref<128x128xf32, #tpu.memory_space<hbm>>) target_semaphore(%run_scoped3A : memref<!tpu.dma_semaphore, #tpu.memory_space<semaphore_mem>>)
      %dma_wait3A = arith.constant 0 : i32
      %dma_wait3A_76 = tpu.memref_slice %arg5[%add3A_51, %dma_wait3A] : memref<20480x128xf32, #tpu.memory_space<hbm>> -> memref<128x128xf32, #tpu.memory_space<hbm>>
      %dma_wait3A_77 = arith.constant 0 : i32
      %dma_wait3A_78 = tpu.memref_slice %arg6[%add3A_48, %dma_wait3A_77] : memref<10240x128xf32, #tpu.memory_space<vmem_shared>> -> memref<128x128xf32, #tpu.memory_space<vmem_shared>>
      tpu.wait_dma2 semaphore(%run_scoped3A : memref<!tpu.dma_semaphore, #tpu.memory_space<semaphore_mem>>) src(%dma_wait3A_78 : memref<128x128xf32, #tpu.memory_space<vmem_shared>>) dst(%dma_wait3A_76 : memref<128x128xf32, #tpu.memory_space<hbm>>)
      tpu.yield
    }) : () -> ()
    %mul3A_52 = arith.constant 640 : i32
    %mul3A_53 = arith.muli %arg1, %mul3A_52 : i32
    %add3A_54 = arith.constant 256 : i32
    %add3A_55 = arith.addi %mul3A_53, %add3A_54 : i32
    %mul3A_56 = arith.constant 10240 : i32
    %mul3A_57 = arith.muli %arg0, %mul3A_56 : i32
    %add3A_58 = arith.addi %mul3A_57, %add3A_55 : i32
    "tpu.region"() ({
      %run_scoped3A = tpu.sem_alloc : memref<!tpu.dma_semaphore, #tpu.memory_space<semaphore_mem>>
      %dma_start3A = arith.constant 0 : i32
      %dma_start3A_73 = tpu.memref_slice %arg5[%add3A_58, %dma_start3A] : memref<20480x128xf32, #tpu.memory_space<hbm>> -> memref<128x128xf32, #tpu.memory_space<hbm>>
      %dma_start3A_74 = arith.constant 0 : i32
      %dma_start3A_75 = tpu.memref_slice %arg6[%add3A_55, %dma_start3A_74] : memref<10240x128xf32, #tpu.memory_space<vmem_shared>> -> memref<128x128xf32, #tpu.memory_space<vmem_shared>>
      tpu.enqueue_dma source(%dma_start3A_75 : memref<128x128xf32, #tpu.memory_space<vmem_shared>>) target(%dma_start3A_73 : memref<128x128xf32, #tpu.memory_space<hbm>>) target_semaphore(%run_scoped3A : memref<!tpu.dma_semaphore, #tpu.memory_space<semaphore_mem>>)
      %dma_wait3A = arith.constant 0 : i32
      %dma_wait3A_76 = tpu.memref_slice %arg5[%add3A_58, %dma_wait3A] : memref<20480x128xf32, #tpu.memory_space<hbm>> -> memref<128x128xf32, #tpu.memory_space<hbm>>
      %dma_wait3A_77 = arith.constant 0 : i32
      %dma_wait3A_78 = tpu.memref_slice %arg6[%add3A_55, %dma_wait3A_77] : memref<10240x128xf32, #tpu.memory_space<vmem_shared>> -> memref<128x128xf32, #tpu.memory_space<vmem_shared>>
      tpu.wait_dma2 semaphore(%run_scoped3A : memref<!tpu.dma_semaphore, #tpu.memory_space<semaphore_mem>>) src(%dma_wait3A_78 : memref<128x128xf32, #tpu.memory_space<vmem_shared>>) dst(%dma_wait3A_76 : memref<128x128xf32, #tpu.memory_space<hbm>>)
      tpu.yield
    }) : () -> ()
    %mul3A_59 = arith.constant 640 : i32
    %mul3A_60 = arith.muli %arg1, %mul3A_59 : i32
    %add3A_61 = arith.constant 384 : i32
    %add3A_62 = arith.addi %mul3A_60, %add3A_61 : i32
    %mul3A_63 = arith.constant 10240 : i32
    %mul3A_64 = arith.muli %arg0, %mul3A_63 : i32
    %add3A_65 = arith.addi %mul3A_64, %add3A_62 : i32
    "tpu.region"() ({
      %run_scoped3A = tpu.sem_alloc : memref<!tpu.dma_semaphore, #tpu.memory_space<semaphore_mem>>
      %dma_start3A = arith.constant 0 : i32
      %dma_start3A_73 = tpu.memref_slice %arg5[%add3A_65, %dma_start3A] : memref<20480x128xf32, #tpu.memory_space<hbm>> -> memref<128x128xf32, #tpu.memory_space<hbm>>
      %dma_start3A_74 = arith.constant 0 : i32
      %dma_start3A_75 = tpu.memref_slice %arg6[%add3A_62, %dma_start3A_74] : memref<10240x128xf32, #tpu.memory_space<vmem_shared>> -> memref<128x128xf32, #tpu.memory_space<vmem_shared>>
      tpu.enqueue_dma source(%dma_start3A_75 : memref<128x128xf32, #tpu.memory_space<vmem_shared>>) target(%dma_start3A_73 : memref<128x128xf32, #tpu.memory_space<hbm>>) target_semaphore(%run_scoped3A : memref<!tpu.dma_semaphore, #tpu.memory_space<semaphore_mem>>)
      %dma_wait3A = arith.constant 0 : i32
      %dma_wait3A_76 = tpu.memref_slice %arg5[%add3A_65, %dma_wait3A] : memref<20480x128xf32, #tpu.memory_space<hbm>> -> memref<128x128xf32, #tpu.memory_space<hbm>>
      %dma_wait3A_77 = arith.constant 0 : i32
      %dma_wait3A_78 = tpu.memref_slice %arg6[%add3A_62, %dma_wait3A_77] : memref<10240x128xf32, #tpu.memory_space<vmem_shared>> -> memref<128x128xf32, #tpu.memory_space<vmem_shared>>
      tpu.wait_dma2 semaphore(%run_scoped3A : memref<!tpu.dma_semaphore, #tpu.memory_space<semaphore_mem>>) src(%dma_wait3A_78 : memref<128x128xf32, #tpu.memory_space<vmem_shared>>) dst(%dma_wait3A_76 : memref<128x128xf32, #tpu.memory_space<hbm>>)
      tpu.yield
    }) : () -> ()
    %mul3A_66 = arith.constant 640 : i32
    %mul3A_67 = arith.muli %arg1, %mul3A_66 : i32
    %add3A_68 = arith.constant 512 : i32
    %add3A_69 = arith.addi %mul3A_67, %add3A_68 : i32
    %mul3A_70 = arith.constant 10240 : i32
    %mul3A_71 = arith.muli %arg0, %mul3A_70 : i32
    %add3A_72 = arith.addi %mul3A_71, %add3A_69 : i32
    "tpu.region"() ({
      %run_scoped3A = tpu.sem_alloc : memref<!tpu.dma_semaphore, #tpu.memory_space<semaphore_mem>>
      %dma_start3A = arith.constant 0 : i32
      %dma_start3A_73 = tpu.memref_slice %arg5[%add3A_72, %dma_start3A] : memref<20480x128xf32, #tpu.memory_space<hbm>> -> memref<128x128xf32, #tpu.memory_space<hbm>>
      %dma_start3A_74 = arith.constant 0 : i32
      %dma_start3A_75 = tpu.memref_slice %arg6[%add3A_69, %dma_start3A_74] : memref<10240x128xf32, #tpu.memory_space<vmem_shared>> -> memref<128x128xf32, #tpu.memory_space<vmem_shared>>
      tpu.enqueue_dma source(%dma_start3A_75 : memref<128x128xf32, #tpu.memory_space<vmem_shared>>) target(%dma_start3A_73 : memref<128x128xf32, #tpu.memory_space<hbm>>) target_semaphore(%run_scoped3A : memref<!tpu.dma_semaphore, #tpu.memory_space<semaphore_mem>>)
      %dma_wait3A = arith.constant 0 : i32
      %dma_wait3A_76 = tpu.memref_slice %arg5[%add3A_72, %dma_wait3A] : memref<20480x128xf32, #tpu.memory_space<hbm>> -> memref<128x128xf32, #tpu.memory_space<hbm>>
      %dma_wait3A_77 = arith.constant 0 : i32
      %dma_wait3A_78 = tpu.memref_slice %arg6[%add3A_69, %dma_wait3A_77] : memref<10240x128xf32, #tpu.memory_space<vmem_shared>> -> memref<128x128xf32, #tpu.memory_space<vmem_shared>>
      tpu.wait_dma2 semaphore(%run_scoped3A : memref<!tpu.dma_semaphore, #tpu.memory_space<semaphore_mem>>) src(%dma_wait3A_78 : memref<128x128xf32, #tpu.memory_space<vmem_shared>>) dst(%dma_wait3A_76 : memref<128x128xf32, #tpu.memory_space<hbm>>)
      tpu.yield
    }) : () -> ()
    return
  }
}

#map = affine_map<(d0, d1) -> (0, 0)>
#map1 = affine_map<(d0, d1) -> (0)>
module attributes {stable_mosaic.version = 14 : i64} {
  func.func @prop_k(%arg0: i32, %arg1: i32, %arg2: memref<20480x128xf32, #tpu.memory_space<hbm>>, %arg3: memref<323584xi32, #tpu.memory_space<hbm>>, %arg4: memref<323584xi32, #tpu.memory_space<hbm>>, %arg5: memref<20480x128xf32, #tpu.memory_space<hbm>>, %arg6: memref<10240x128xf32, #tpu.memory_space<vmem_shared>>, %arg7: memref<128x128xf32, #tpu.memory_space<vmem>>, %arg8: memref<128xi32, #tpu.memory_space<vmem>>, %arg9: memref<128xi32, #tpu.memory_space<vmem>>, %arg10: memref<128xi32, #tpu.memory_space<vmem>>, %arg11: memref<!tpu.dma_semaphore, #tpu.memory_space<semaphore_mem>>) attributes {dimension_semantics = [#tpu.dimension_semantics<core_parallel>, #tpu.dimension_semantics<subcore_parallel>], iteration_bounds = array<i64: 2, 16>, scalar_prefetch = 0 : i64, scratch_operands = 6 : i64, tpu.core_type = #tpu.core_type<sc_vector_subcore>, window_params = [{transform_indices = #map}, {transform_indices = #map1}, {transform_indices = #map1}, {transform_indices = #map}]} {
    %broadcast_in_dim3A = arith.constant 0.000000e+00 : f32
    %broadcast_in_dim3A_0 = vector.broadcast %broadcast_in_dim3A : f32 to vector<16xf32>
    %scan3A = arith.constant 0 : i32
    %scan3A_1 = arith.constant 0 : i32
    %scan3A_2 = arith.constant 128 : i32
    %scan3A_3 = arith.addi %scan3A_1, %scan3A_2 : i32
    %scan3A_4 = arith.constant 1 : i32
    scf.for %scan3A_70 = %scan3A_1 to %scan3A_3 step %scan3A_4  : i32 {
      %swap3A = arith.index_cast %scan3A_70 : i32 to index
      %swap3A_71 = arith.constant 0 : index
      %swap3A_72 = tpu.vector_load %arg7[%swap3A, %swap3A_71] {strides = array<i32>} : memref<128x128xf32, #tpu.memory_space<vmem>>, vector<1x16xf32>,
      %swap3A_73 = vector.shape_cast %swap3A_72 : vector<1x16xf32> to vector<16xf32>
      %swap3A_74 = vector.shape_cast %broadcast_in_dim3A_0 : vector<16xf32> to vector<1x16xf32>
      tpu.vector_store %arg7[%swap3A, %swap3A_71], %swap3A_74 {strides = array<i32>} : memref<128x128xf32, #tpu.memory_space<vmem>>, vector<1x16xf32>,
      %swap3A_75 = arith.index_cast %scan3A_70 : i32 to index
      %swap3A_76 = arith.constant 16 : index
      %swap3A_77 = tpu.vector_load %arg7[%swap3A_75, %swap3A_76] {strides = array<i32>} : memref<128x128xf32, #tpu.memory_space<vmem>>, vector<1x16xf32>,
      %swap3A_78 = vector.shape_cast %swap3A_77 : vector<1x16xf32> to vector<16xf32>
      %swap3A_79 = vector.shape_cast %broadcast_in_dim3A_0 : vector<16xf32> to vector<1x16xf32>
      tpu.vector_store %arg7[%swap3A_75, %swap3A_76], %swap3A_79 {strides = array<i32>} : memref<128x128xf32, #tpu.memory_space<vmem>>, vector<1x16xf32>,
      %swap3A_80 = arith.index_cast %scan3A_70 : i32 to index
      %swap3A_81 = arith.constant 32 : index
      %swap3A_82 = tpu.vector_load %arg7[%swap3A_80, %swap3A_81] {strides = array<i32>} : memref<128x128xf32, #tpu.memory_space<vmem>>, vector<1x16xf32>,
      %swap3A_83 = vector.shape_cast %swap3A_82 : vector<1x16xf32> to vector<16xf32>
      %swap3A_84 = vector.shape_cast %broadcast_in_dim3A_0 : vector<16xf32> to vector<1x16xf32>
      tpu.vector_store %arg7[%swap3A_80, %swap3A_81], %swap3A_84 {strides = array<i32>} : memref<128x128xf32, #tpu.memory_space<vmem>>, vector<1x16xf32>,
      %swap3A_85 = arith.index_cast %scan3A_70 : i32 to index
      %swap3A_86 = arith.constant 48 : index
      %swap3A_87 = tpu.vector_load %arg7[%swap3A_85, %swap3A_86] {strides = array<i32>} : memref<128x128xf32, #tpu.memory_space<vmem>>, vector<1x16xf32>,
      %swap3A_88 = vector.shape_cast %swap3A_87 : vector<1x16xf32> to vector<16xf32>
      %swap3A_89 = vector.shape_cast %broadcast_in_dim3A_0 : vector<16xf32> to vector<1x16xf32>
      tpu.vector_store %arg7[%swap3A_85, %swap3A_86], %swap3A_89 {strides = array<i32>} : memref<128x128xf32, #tpu.memory_space<vmem>>, vector<1x16xf32>,
      %swap3A_90 = arith.index_cast %scan3A_70 : i32 to index
      %swap3A_91 = arith.constant 64 : index
      %swap3A_92 = tpu.vector_load %arg7[%swap3A_90, %swap3A_91] {strides = array<i32>} : memref<128x128xf32, #tpu.memory_space<vmem>>, vector<1x16xf32>,
      %swap3A_93 = vector.shape_cast %swap3A_92 : vector<1x16xf32> to vector<16xf32>
      %swap3A_94 = vector.shape_cast %broadcast_in_dim3A_0 : vector<16xf32> to vector<1x16xf32>
      tpu.vector_store %arg7[%swap3A_90, %swap3A_91], %swap3A_94 {strides = array<i32>} : memref<128x128xf32, #tpu.memory_space<vmem>>, vector<1x16xf32>,
      %swap3A_95 = arith.index_cast %scan3A_70 : i32 to index
      %swap3A_96 = arith.constant 80 : index
      %swap3A_97 = tpu.vector_load %arg7[%swap3A_95, %swap3A_96] {strides = array<i32>} : memref<128x128xf32, #tpu.memory_space<vmem>>, vector<1x16xf32>,
      %swap3A_98 = vector.shape_cast %swap3A_97 : vector<1x16xf32> to vector<16xf32>
      %swap3A_99 = vector.shape_cast %broadcast_in_dim3A_0 : vector<16xf32> to vector<1x16xf32>
      tpu.vector_store %arg7[%swap3A_95, %swap3A_96], %swap3A_99 {strides = array<i32>} : memref<128x128xf32, #tpu.memory_space<vmem>>, vector<1x16xf32>,
      %swap3A_100 = arith.index_cast %scan3A_70 : i32 to index
      %swap3A_101 = arith.constant 96 : index
      %swap3A_102 = tpu.vector_load %arg7[%swap3A_100, %swap3A_101] {strides = array<i32>} : memref<128x128xf32, #tpu.memory_space<vmem>>, vector<1x16xf32>,
      %swap3A_103 = vector.shape_cast %swap3A_102 : vector<1x16xf32> to vector<16xf32>
      %swap3A_104 = vector.shape_cast %broadcast_in_dim3A_0 : vector<16xf32> to vector<1x16xf32>
      tpu.vector_store %arg7[%swap3A_100, %swap3A_101], %swap3A_104 {strides = array<i32>} : memref<128x128xf32, #tpu.memory_space<vmem>>, vector<1x16xf32>,
      %swap3A_105 = arith.index_cast %scan3A_70 : i32 to index
      %swap3A_106 = arith.constant 112 : index
      %swap3A_107 = tpu.vector_load %arg7[%swap3A_105, %swap3A_106] {strides = array<i32>} : memref<128x128xf32, #tpu.memory_space<vmem>>, vector<1x16xf32>,
      %swap3A_108 = vector.shape_cast %swap3A_107 : vector<1x16xf32> to vector<16xf32>
      %swap3A_109 = vector.shape_cast %broadcast_in_dim3A_0 : vector<16xf32> to vector<1x16xf32>
      tpu.vector_store %arg7[%swap3A_105, %swap3A_106], %swap3A_109 {strides = array<i32>} : memref<128x128xf32, #tpu.memory_space<vmem>>, vector<1x16xf32>,
    }
    %scan3A_5 = arith.constant 128 : i32
    %mul3A = arith.constant 640 : i32
    %mul3A_6 = arith.muli %arg1, %mul3A : i32
    %add3A = arith.constant 0 : i32
    %add3A_7 = arith.addi %mul3A_6, %add3A : i32
    "tpu.region"() ({
      %run_scoped3A = tpu.sem_alloc : memref<!tpu.dma_semaphore, #tpu.memory_space<semaphore_mem>>
      %dma_start3A = arith.constant 0 : i32
      %dma_start3A_70 = tpu.memref_slice %arg6[%add3A_7, %dma_start3A] : memref<10240x128xf32, #tpu.memory_space<vmem_shared>> -> memref<128x128xf32, #tpu.memory_space<vmem_shared>>
      %dma_start3A_71 = arith.constant 0 : i32
      %dma_start3A_72 = tpu.memref_slice %arg6[%add3A_7, %dma_start3A_71] : memref<10240x128xf32, #tpu.memory_space<vmem_shared>> -> memref<128x128xf32, #tpu.memory_space<vmem_shared>>
      tpu.enqueue_dma source(%arg7 : memref<128x128xf32, #tpu.memory_space<vmem>>) target(%dma_start3A_72 : memref<128x128xf32, #tpu.memory_space<vmem_shared>>) target_semaphore(%run_scoped3A : memref<!tpu.dma_semaphore, #tpu.memory_space<semaphore_mem>>)
      %dma_wait3A = arith.constant 0 : i32
      %dma_wait3A_73 = tpu.memref_slice %arg6[%add3A_7, %dma_wait3A] : memref<10240x128xf32, #tpu.memory_space<vmem_shared>> -> memref<128x128xf32, #tpu.memory_space<vmem_shared>>
      %dma_wait3A_74 = arith.constant 0 : i32
      %dma_wait3A_75 = tpu.memref_slice %arg6[%add3A_7, %dma_wait3A_74] : memref<10240x128xf32, #tpu.memory_space<vmem_shared>> -> memref<128x128xf32, #tpu.memory_space<vmem_shared>>
      tpu.wait_dma2 semaphore(%run_scoped3A : memref<!tpu.dma_semaphore, #tpu.memory_space<semaphore_mem>>) src(%arg7 : memref<128x128xf32, #tpu.memory_space<vmem>>) dst(%dma_wait3A_75 : memref<128x128xf32, #tpu.memory_space<vmem_shared>>)
      tpu.yield
    }) : () -> ()
    %mul3A_8 = arith.constant 640 : i32
    %mul3A_9 = arith.muli %arg1, %mul3A_8 : i32
    %add3A_10 = arith.constant 128 : i32
    %add3A_11 = arith.addi %mul3A_9, %add3A_10 : i32
    "tpu.region"() ({
      %run_scoped3A = tpu.sem_alloc : memref<!tpu.dma_semaphore, #tpu.memory_space<semaphore_mem>>
      %dma_start3A = arith.constant 0 : i32
      %dma_start3A_70 = tpu.memref_slice %arg6[%add3A_11, %dma_start3A] : memref<10240x128xf32, #tpu.memory_space<vmem_shared>> -> memref<128x128xf32, #tpu.memory_space<vmem_shared>>
      %dma_start3A_71 = arith.constant 0 : i32
      %dma_start3A_72 = tpu.memref_slice %arg6[%add3A_11, %dma_start3A_71] : memref<10240x128xf32, #tpu.memory_space<vmem_shared>> -> memref<128x128xf32, #tpu.memory_space<vmem_shared>>
      tpu.enqueue_dma source(%arg7 : memref<128x128xf32, #tpu.memory_space<vmem>>) target(%dma_start3A_72 : memref<128x128xf32, #tpu.memory_space<vmem_shared>>) target_semaphore(%run_scoped3A : memref<!tpu.dma_semaphore, #tpu.memory_space<semaphore_mem>>)
      %dma_wait3A = arith.constant 0 : i32
      %dma_wait3A_73 = tpu.memref_slice %arg6[%add3A_11, %dma_wait3A] : memref<10240x128xf32, #tpu.memory_space<vmem_shared>> -> memref<128x128xf32, #tpu.memory_space<vmem_shared>>
      %dma_wait3A_74 = arith.constant 0 : i32
      %dma_wait3A_75 = tpu.memref_slice %arg6[%add3A_11, %dma_wait3A_74] : memref<10240x128xf32, #tpu.memory_space<vmem_shared>> -> memref<128x128xf32, #tpu.memory_space<vmem_shared>>
      tpu.wait_dma2 semaphore(%run_scoped3A : memref<!tpu.dma_semaphore, #tpu.memory_space<semaphore_mem>>) src(%arg7 : memref<128x128xf32, #tpu.memory_space<vmem>>) dst(%dma_wait3A_75 : memref<128x128xf32, #tpu.memory_space<vmem_shared>>)
      tpu.yield
    }) : () -> ()
    %mul3A_12 = arith.constant 640 : i32
    %mul3A_13 = arith.muli %arg1, %mul3A_12 : i32
    %add3A_14 = arith.constant 256 : i32
    %add3A_15 = arith.addi %mul3A_13, %add3A_14 : i32
    "tpu.region"() ({
      %run_scoped3A = tpu.sem_alloc : memref<!tpu.dma_semaphore, #tpu.memory_space<semaphore_mem>>
      %dma_start3A = arith.constant 0 : i32
      %dma_start3A_70 = tpu.memref_slice %arg6[%add3A_15, %dma_start3A] : memref<10240x128xf32, #tpu.memory_space<vmem_shared>> -> memref<128x128xf32, #tpu.memory_space<vmem_shared>>
      %dma_start3A_71 = arith.constant 0 : i32
      %dma_start3A_72 = tpu.memref_slice %arg6[%add3A_15, %dma_start3A_71] : memref<10240x128xf32, #tpu.memory_space<vmem_shared>> -> memref<128x128xf32, #tpu.memory_space<vmem_shared>>
      tpu.enqueue_dma source(%arg7 : memref<128x128xf32, #tpu.memory_space<vmem>>) target(%dma_start3A_72 : memref<128x128xf32, #tpu.memory_space<vmem_shared>>) target_semaphore(%run_scoped3A : memref<!tpu.dma_semaphore, #tpu.memory_space<semaphore_mem>>)
      %dma_wait3A = arith.constant 0 : i32
      %dma_wait3A_73 = tpu.memref_slice %arg6[%add3A_15, %dma_wait3A] : memref<10240x128xf32, #tpu.memory_space<vmem_shared>> -> memref<128x128xf32, #tpu.memory_space<vmem_shared>>
      %dma_wait3A_74 = arith.constant 0 : i32
      %dma_wait3A_75 = tpu.memref_slice %arg6[%add3A_15, %dma_wait3A_74] : memref<10240x128xf32, #tpu.memory_space<vmem_shared>> -> memref<128x128xf32, #tpu.memory_space<vmem_shared>>
      tpu.wait_dma2 semaphore(%run_scoped3A : memref<!tpu.dma_semaphore, #tpu.memory_space<semaphore_mem>>) src(%arg7 : memref<128x128xf32, #tpu.memory_space<vmem>>) dst(%dma_wait3A_75 : memref<128x128xf32, #tpu.memory_space<vmem_shared>>)
      tpu.yield
    }) : () -> ()
    %mul3A_16 = arith.constant 640 : i32
    %mul3A_17 = arith.muli %arg1, %mul3A_16 : i32
    %add3A_18 = arith.constant 384 : i32
    %add3A_19 = arith.addi %mul3A_17, %add3A_18 : i32
    "tpu.region"() ({
      %run_scoped3A = tpu.sem_alloc : memref<!tpu.dma_semaphore, #tpu.memory_space<semaphore_mem>>
      %dma_start3A = arith.constant 0 : i32
      %dma_start3A_70 = tpu.memref_slice %arg6[%add3A_19, %dma_start3A] : memref<10240x128xf32, #tpu.memory_space<vmem_shared>> -> memref<128x128xf32, #tpu.memory_space<vmem_shared>>
      %dma_start3A_71 = arith.constant 0 : i32
      %dma_start3A_72 = tpu.memref_slice %arg6[%add3A_19, %dma_start3A_71] : memref<10240x128xf32, #tpu.memory_space<vmem_shared>> -> memref<128x128xf32, #tpu.memory_space<vmem_shared>>
      tpu.enqueue_dma source(%arg7 : memref<128x128xf32, #tpu.memory_space<vmem>>) target(%dma_start3A_72 : memref<128x128xf32, #tpu.memory_space<vmem_shared>>) target_semaphore(%run_scoped3A : memref<!tpu.dma_semaphore, #tpu.memory_space<semaphore_mem>>)
      %dma_wait3A = arith.constant 0 : i32
      %dma_wait3A_73 = tpu.memref_slice %arg6[%add3A_19, %dma_wait3A] : memref<10240x128xf32, #tpu.memory_space<vmem_shared>> -> memref<128x128xf32, #tpu.memory_space<vmem_shared>>
      %dma_wait3A_74 = arith.constant 0 : i32
      %dma_wait3A_75 = tpu.memref_slice %arg6[%add3A_19, %dma_wait3A_74] : memref<10240x128xf32, #tpu.memory_space<vmem_shared>> -> memref<128x128xf32, #tpu.memory_space<vmem_shared>>
      tpu.wait_dma2 semaphore(%run_scoped3A : memref<!tpu.dma_semaphore, #tpu.memory_space<semaphore_mem>>) src(%arg7 : memref<128x128xf32, #tpu.memory_space<vmem>>) dst(%dma_wait3A_75 : memref<128x128xf32, #tpu.memory_space<vmem_shared>>)
      tpu.yield
    }) : () -> ()
    %mul3A_20 = arith.constant 640 : i32
    %mul3A_21 = arith.muli %arg1, %mul3A_20 : i32
    %add3A_22 = arith.constant 512 : i32
    %add3A_23 = arith.addi %mul3A_21, %add3A_22 : i32
    "tpu.region"() ({
      %run_scoped3A = tpu.sem_alloc : memref<!tpu.dma_semaphore, #tpu.memory_space<semaphore_mem>>
      %dma_start3A = arith.constant 0 : i32
      %dma_start3A_70 = tpu.memref_slice %arg6[%add3A_23, %dma_start3A] : memref<10240x128xf32, #tpu.memory_space<vmem_shared>> -> memref<128x128xf32, #tpu.memory_space<vmem_shared>>
      %dma_start3A_71 = arith.constant 0 : i32
      %dma_start3A_72 = tpu.memref_slice %arg6[%add3A_23, %dma_start3A_71] : memref<10240x128xf32, #tpu.memory_space<vmem_shared>> -> memref<128x128xf32, #tpu.memory_space<vmem_shared>>
      tpu.enqueue_dma source(%arg7 : memref<128x128xf32, #tpu.memory_space<vmem>>) target(%dma_start3A_72 : memref<128x128xf32, #tpu.memory_space<vmem_shared>>) target_semaphore(%run_scoped3A : memref<!tpu.dma_semaphore, #tpu.memory_space<semaphore_mem>>)
      %dma_wait3A = arith.constant 0 : i32
      %dma_wait3A_73 = tpu.memref_slice %arg6[%add3A_23, %dma_wait3A] : memref<10240x128xf32, #tpu.memory_space<vmem_shared>> -> memref<128x128xf32, #tpu.memory_space<vmem_shared>>
      %dma_wait3A_74 = arith.constant 0 : i32
      %dma_wait3A_75 = tpu.memref_slice %arg6[%add3A_23, %dma_wait3A_74] : memref<10240x128xf32, #tpu.memory_space<vmem_shared>> -> memref<128x128xf32, #tpu.memory_space<vmem_shared>>
      tpu.wait_dma2 semaphore(%run_scoped3A : memref<!tpu.dma_semaphore, #tpu.memory_space<semaphore_mem>>) src(%arg7 : memref<128x128xf32, #tpu.memory_space<vmem>>) dst(%dma_wait3A_75 : memref<128x128xf32, #tpu.memory_space<vmem_shared>>)
      tpu.yield
    }) : () -> ()
    %barrier3A = arith.constant 0 : index
    tpu.barrier barrier_id(%barrier3A)
    %mul3A_24 = arith.constant 10240 : i32
    %mul3A_25 = arith.muli %arg0, %mul3A_24 : i32
    %mul3A_26 = arith.constant 20224 : i32
    %mul3A_27 = arith.muli %arg1, %mul3A_26 : i32
    %scan3A_28 = arith.constant 0 : i32
    %scan3A_29 = arith.constant 0 : i32
    %scan3A_30 = arith.constant 158 : i32
    %scan3A_31 = arith.addi %scan3A_29, %scan3A_30 : i32
    %scan3A_32 = arith.constant 1 : i32
    scf.for %scan3A_70 = %scan3A_29 to %scan3A_31 step %scan3A_32  : i32 {
      %mul3A_71 = arith.constant 128 : i32
      %mul3A_72 = arith.muli %scan3A_70, %mul3A_71 : i32
      %add3A_73 = arith.addi %mul3A_27, %mul3A_72 : i32
      "tpu.region"() ({
        %run_scoped3A = tpu.sem_alloc : memref<!tpu.dma_semaphore, #tpu.memory_space<semaphore_mem>>
        %dma_start3A_84 = tpu.memref_slice %arg3[%add3A_73] : memref<323584xi32, #tpu.memory_space<hbm>> -> memref<128xi32, #tpu.memory_space<hbm>>
        %dma_start3A_85 = tpu.memref_slice %arg3[%add3A_73] : memref<323584xi32, #tpu.memory_space<hbm>> -> memref<128xi32, #tpu.memory_space<hbm>>
        tpu.enqueue_dma source(%dma_start3A_85 : memref<128xi32, #tpu.memory_space<hbm>>) target(%arg8 : memref<128xi32, #tpu.memory_space<vmem>>) target_semaphore(%run_scoped3A : memref<!tpu.dma_semaphore, #tpu.memory_space<semaphore_mem>>)
        %dma_wait3A_86 = tpu.memref_slice %arg3[%add3A_73] : memref<323584xi32, #tpu.memory_space<hbm>> -> memref<128xi32, #tpu.memory_space<hbm>>
        %dma_wait3A_87 = tpu.memref_slice %arg3[%add3A_73] : memref<323584xi32, #tpu.memory_space<hbm>> -> memref<128xi32, #tpu.memory_space<hbm>>
        tpu.wait_dma2 semaphore(%run_scoped3A : memref<!tpu.dma_semaphore, #tpu.memory_space<semaphore_mem>>) src(%dma_wait3A_87 : memref<128xi32, #tpu.memory_space<hbm>>) dst(%arg8 : memref<128xi32, #tpu.memory_space<vmem>>)
        tpu.yield
      }) : () -> ()
      "tpu.region"() ({
        %run_scoped3A = tpu.sem_alloc : memref<!tpu.dma_semaphore, #tpu.memory_space<semaphore_mem>>
        %dma_start3A_84 = tpu.memref_slice %arg4[%add3A_73] : memref<323584xi32, #tpu.memory_space<hbm>> -> memref<128xi32, #tpu.memory_space<hbm>>
        %dma_start3A_85 = tpu.memref_slice %arg4[%add3A_73] : memref<323584xi32, #tpu.memory_space<hbm>> -> memref<128xi32, #tpu.memory_space<hbm>>
        tpu.enqueue_dma source(%dma_start3A_85 : memref<128xi32, #tpu.memory_space<hbm>>) target(%arg9 : memref<128xi32, #tpu.memory_space<vmem>>) target_semaphore(%run_scoped3A : memref<!tpu.dma_semaphore, #tpu.memory_space<semaphore_mem>>)
        %dma_wait3A_86 = tpu.memref_slice %arg4[%add3A_73] : memref<323584xi32, #tpu.memory_space<hbm>> -> memref<128xi32, #tpu.memory_space<hbm>>
        %dma_wait3A_87 = tpu.memref_slice %arg4[%add3A_73] : memref<323584xi32, #tpu.memory_space<hbm>> -> memref<128xi32, #tpu.memory_space<hbm>>
        tpu.wait_dma2 semaphore(%run_scoped3A : memref<!tpu.dma_semaphore, #tpu.memory_space<semaphore_mem>>) src(%dma_wait3A_87 : memref<128xi32, #tpu.memory_space<hbm>>) dst(%arg9 : memref<128xi32, #tpu.memory_space<vmem>>)
        tpu.yield
      }) : () -> ()
      %scan3A_74 = arith.constant 0 : i32
      %scan3A_75 = arith.constant 0 : i32
      %scan3A_76 = arith.constant 8 : i32
      %scan3A_77 = arith.addi %scan3A_75, %scan3A_76 : i32
      %scan3A_78 = arith.constant 1 : i32
      scf.for %scan3A_84 = %scan3A_75 to %scan3A_77 step %scan3A_78  : i32 {
        %mul3A_85 = arith.constant 16 : i32
        %mul3A_86 = arith.muli %scan3A_84, %mul3A_85 : i32
        %get3A = arith.index_cast %mul3A_86 : i32 to index
        %get3A_87 = tpu.vector_load %arg8[%get3A] {strides = array<i32>} : memref<128xi32, #tpu.memory_space<vmem>>, vector<16xi32>,
        %get3A_88 = vector.shape_cast %get3A_87 : vector<16xi32> to vector<16xi32>
        %add3A_89 = vector.broadcast %mul3A_25 : i32 to vector<16xi32>
        %add3A_90 = arith.addi %get3A_88, %add3A_89 : vector<16xi32>
        %swap3A = arith.index_cast %mul3A_86 : i32 to index
        %swap3A_91 = tpu.vector_load %arg10[%swap3A] {strides = array<i32>} : memref<128xi32, #tpu.memory_space<vmem>>, vector<16xi32>,
        %swap3A_92 = vector.shape_cast %swap3A_91 : vector<16xi32> to vector<16xi32>
        %swap3A_93 = vector.shape_cast %add3A_90 : vector<16xi32> to vector<16xi32>
        tpu.vector_store %arg10[%swap3A], %swap3A_93 {strides = array<i32>} : memref<128xi32, #tpu.memory_space<vmem>>, vector<16xi32>,
      }
      %scan3A_79 = arith.constant 8 : i32
      %dma_start3A = arith.constant 0 : i32
      %dma_start3A_80 = arith.constant 0 : i32
      %dma_start3A_81 = tpu.memref_slice %arg2[%dma_start3A, %dma_start3A_80] : memref<20480x128xf32, #tpu.memory_space<hbm>> -> memref<20480x128xf32, #tpu.memory_space<hbm>>
      tpu.enqueue_indirect_dma source(%dma_start3A_81 : memref<20480x128xf32, #tpu.memory_space<hbm>>) target(%arg7 : memref<128x128xf32, #tpu.memory_space<vmem>>) offsets(%arg10 : memref<128xi32, #tpu.memory_space<vmem>>) semaphore(%arg11 : memref<!tpu.dma_semaphore, #tpu.memory_space<semaphore_mem>>)
      %dma_wait3A = arith.constant 0 : i32
      %dma_wait3A_82 = arith.constant 0 : i32
      %dma_wait3A_83 = tpu.memref_slice %arg2[%dma_wait3A, %dma_wait3A_82] : memref<20480x128xf32, #tpu.memory_space<hbm>> -> memref<20480x128xf32, #tpu.memory_space<hbm>>
      tpu.wait_indirect_dma semaphore(%arg11 : memref<!tpu.dma_semaphore, #tpu.memory_space<semaphore_mem>>) src(%dma_wait3A_83 : memref<20480x128xf32, #tpu.memory_space<hbm>>) dst(%arg7 : memref<128x128xf32, #tpu.memory_space<vmem>>)
      "tpu.region"() ({
        %run_scoped3A = tpu.sem_alloc : memref<!tpu.dma_semaphore, #tpu.memory_space<semaphore_mem>>
        %dma_start3A_84 = arith.constant 0 : i32
        %dma_start3A_85 = arith.constant 0 : i32
        %dma_start3A_86 = tpu.memref_slice %arg6[%dma_start3A_84, %dma_start3A_85] : memref<10240x128xf32, #tpu.memory_space<vmem_shared>> -> memref<10240x128xf32, #tpu.memory_space<vmem_shared>>
        tpu.enqueue_indirect_dma source(%arg7 : memref<128x128xf32, #tpu.memory_space<vmem>>) target(%dma_start3A_86 : memref<10240x128xf32, #tpu.memory_space<vmem_shared>>) offsets(%arg9 : memref<128xi32, #tpu.memory_space<vmem>>) semaphore(%run_scoped3A : memref<!tpu.dma_semaphore, #tpu.memory_space<semaphore_mem>>) {add = true}
        %dma_wait3A_87 = arith.constant 0 : i32
        %dma_wait3A_88 = arith.constant 0 : i32
        %dma_wait3A_89 = tpu.memref_slice %arg6[%dma_wait3A_87, %dma_wait3A_88] : memref<10240x128xf32, #tpu.memory_space<vmem_shared>> -> memref<10240x128xf32, #tpu.memory_space<vmem_shared>>
        tpu.wait_indirect_dma semaphore(%run_scoped3A : memref<!tpu.dma_semaphore, #tpu.memory_space<semaphore_mem>>) src(%arg7 : memref<128x128xf32, #tpu.memory_space<vmem>>) dst(%dma_wait3A_89 : memref<10240x128xf32, #tpu.memory_space<vmem_shared>>)
        tpu.yield
      }) : () -> ()
    }
    %scan3A_33 = arith.constant 158 : i32
    %barrier3A_34 = arith.constant 0 : index
    tpu.barrier barrier_id(%barrier3A_34)
    %mul3A_35 = arith.constant 640 : i32
    %mul3A_36 = arith.muli %arg1, %mul3A_35 : i32
    %add3A_37 = arith.constant 0 : i32
    %add3A_38 = arith.addi %mul3A_36, %add3A_37 : i32
    %mul3A_39 = arith.constant 10240 : i32
    %mul3A_40 = arith.muli %arg0, %mul3A_39 : i32
    %add3A_41 = arith.addi %mul3A_40, %add3A_38 : i32
    "tpu.region"() ({
      %run_scoped3A = tpu.sem_alloc : memref<!tpu.dma_semaphore, #tpu.memory_space<semaphore_mem>>
      %dma_start3A = arith.constant 0 : i32
      %dma_start3A_70 = tpu.memref_slice %arg5[%add3A_41, %dma_start3A] : memref<20480x128xf32, #tpu.memory_space<hbm>> -> memref<128x128xf32, #tpu.memory_space<hbm>>
      %dma_start3A_71 = arith.constant 0 : i32
      %dma_start3A_72 = tpu.memref_slice %arg6[%add3A_38, %dma_start3A_71] : memref<10240x128xf32, #tpu.memory_space<vmem_shared>> -> memref<128x128xf32, #tpu.memory_space<vmem_shared>>
      tpu.enqueue_dma source(%dma_start3A_72 : memref<128x128xf32, #tpu.memory_space<vmem_shared>>) target(%dma_start3A_70 : memref<128x128xf32, #tpu.memory_space<hbm>>) target_semaphore(%run_scoped3A : memref<!tpu.dma_semaphore, #tpu.memory_space<semaphore_mem>>)
      %dma_wait3A = arith.constant 0 : i32
      %dma_wait3A_73 = tpu.memref_slice %arg5[%add3A_41, %dma_wait3A] : memref<20480x128xf32, #tpu.memory_space<hbm>> -> memref<128x128xf32, #tpu.memory_space<hbm>>
      %dma_wait3A_74 = arith.constant 0 : i32
      %dma_wait3A_75 = tpu.memref_slice %arg6[%add3A_38, %dma_wait3A_74] : memref<10240x128xf32, #tpu.memory_space<vmem_shared>> -> memref<128x128xf32, #tpu.memory_space<vmem_shared>>
      tpu.wait_dma2 semaphore(%run_scoped3A : memref<!tpu.dma_semaphore, #tpu.memory_space<semaphore_mem>>) src(%dma_wait3A_75 : memref<128x128xf32, #tpu.memory_space<vmem_shared>>) dst(%dma_wait3A_73 : memref<128x128xf32, #tpu.memory_space<hbm>>)
      tpu.yield
    }) : () -> ()
    %mul3A_42 = arith.constant 640 : i32
    %mul3A_43 = arith.muli %arg1, %mul3A_42 : i32
    %add3A_44 = arith.constant 128 : i32
    %add3A_45 = arith.addi %mul3A_43, %add3A_44 : i32
    %mul3A_46 = arith.constant 10240 : i32
    %mul3A_47 = arith.muli %arg0, %mul3A_46 : i32
    %add3A_48 = arith.addi %mul3A_47, %add3A_45 : i32
    "tpu.region"() ({
      %run_scoped3A = tpu.sem_alloc : memref<!tpu.dma_semaphore, #tpu.memory_space<semaphore_mem>>
      %dma_start3A = arith.constant 0 : i32
      %dma_start3A_70 = tpu.memref_slice %arg5[%add3A_48, %dma_start3A] : memref<20480x128xf32, #tpu.memory_space<hbm>> -> memref<128x128xf32, #tpu.memory_space<hbm>>
      %dma_start3A_71 = arith.constant 0 : i32
      %dma_start3A_72 = tpu.memref_slice %arg6[%add3A_45, %dma_start3A_71] : memref<10240x128xf32, #tpu.memory_space<vmem_shared>> -> memref<128x128xf32, #tpu.memory_space<vmem_shared>>
      tpu.enqueue_dma source(%dma_start3A_72 : memref<128x128xf32, #tpu.memory_space<vmem_shared>>) target(%dma_start3A_70 : memref<128x128xf32, #tpu.memory_space<hbm>>) target_semaphore(%run_scoped3A : memref<!tpu.dma_semaphore, #tpu.memory_space<semaphore_mem>>)
      %dma_wait3A = arith.constant 0 : i32
      %dma_wait3A_73 = tpu.memref_slice %arg5[%add3A_48, %dma_wait3A] : memref<20480x128xf32, #tpu.memory_space<hbm>> -> memref<128x128xf32, #tpu.memory_space<hbm>>
      %dma_wait3A_74 = arith.constant 0 : i32
      %dma_wait3A_75 = tpu.memref_slice %arg6[%add3A_45, %dma_wait3A_74] : memref<10240x128xf32, #tpu.memory_space<vmem_shared>> -> memref<128x128xf32, #tpu.memory_space<vmem_shared>>
      tpu.wait_dma2 semaphore(%run_scoped3A : memref<!tpu.dma_semaphore, #tpu.memory_space<semaphore_mem>>) src(%dma_wait3A_75 : memref<128x128xf32, #tpu.memory_space<vmem_shared>>) dst(%dma_wait3A_73 : memref<128x128xf32, #tpu.memory_space<hbm>>)
      tpu.yield
    }) : () -> ()
    %mul3A_49 = arith.constant 640 : i32
    %mul3A_50 = arith.muli %arg1, %mul3A_49 : i32
    %add3A_51 = arith.constant 256 : i32
    %add3A_52 = arith.addi %mul3A_50, %add3A_51 : i32
    %mul3A_53 = arith.constant 10240 : i32
    %mul3A_54 = arith.muli %arg0, %mul3A_53 : i32
    %add3A_55 = arith.addi %mul3A_54, %add3A_52 : i32
    "tpu.region"() ({
      %run_scoped3A = tpu.sem_alloc : memref<!tpu.dma_semaphore, #tpu.memory_space<semaphore_mem>>
      %dma_start3A = arith.constant 0 : i32
      %dma_start3A_70 = tpu.memref_slice %arg5[%add3A_55, %dma_start3A] : memref<20480x128xf32, #tpu.memory_space<hbm>> -> memref<128x128xf32, #tpu.memory_space<hbm>>
      %dma_start3A_71 = arith.constant 0 : i32
      %dma_start3A_72 = tpu.memref_slice %arg6[%add3A_52, %dma_start3A_71] : memref<10240x128xf32, #tpu.memory_space<vmem_shared>> -> memref<128x128xf32, #tpu.memory_space<vmem_shared>>
      tpu.enqueue_dma source(%dma_start3A_72 : memref<128x128xf32, #tpu.memory_space<vmem_shared>>) target(%dma_start3A_70 : memref<128x128xf32, #tpu.memory_space<hbm>>) target_semaphore(%run_scoped3A : memref<!tpu.dma_semaphore, #tpu.memory_space<semaphore_mem>>)
      %dma_wait3A = arith.constant 0 : i32
      %dma_wait3A_73 = tpu.memref_slice %arg5[%add3A_55, %dma_wait3A] : memref<20480x128xf32, #tpu.memory_space<hbm>> -> memref<128x128xf32, #tpu.memory_space<hbm>>
      %dma_wait3A_74 = arith.constant 0 : i32
      %dma_wait3A_75 = tpu.memref_slice %arg6[%add3A_52, %dma_wait3A_74] : memref<10240x128xf32, #tpu.memory_space<vmem_shared>> -> memref<128x128xf32, #tpu.memory_space<vmem_shared>>
      tpu.wait_dma2 semaphore(%run_scoped3A : memref<!tpu.dma_semaphore, #tpu.memory_space<semaphore_mem>>) src(%dma_wait3A_75 : memref<128x128xf32, #tpu.memory_space<vmem_shared>>) dst(%dma_wait3A_73 : memref<128x128xf32, #tpu.memory_space<hbm>>)
      tpu.yield
    }) : () -> ()
    %mul3A_56 = arith.constant 640 : i32
    %mul3A_57 = arith.muli %arg1, %mul3A_56 : i32
    %add3A_58 = arith.constant 384 : i32
    %add3A_59 = arith.addi %mul3A_57, %add3A_58 : i32
    %mul3A_60 = arith.constant 10240 : i32
    %mul3A_61 = arith.muli %arg0, %mul3A_60 : i32
    %add3A_62 = arith.addi %mul3A_61, %add3A_59 : i32
    "tpu.region"() ({
      %run_scoped3A = tpu.sem_alloc : memref<!tpu.dma_semaphore, #tpu.memory_space<semaphore_mem>>
      %dma_start3A = arith.constant 0 : i32
      %dma_start3A_70 = tpu.memref_slice %arg5[%add3A_62, %dma_start3A] : memref<20480x128xf32, #tpu.memory_space<hbm>> -> memref<128x128xf32, #tpu.memory_space<hbm>>
      %dma_start3A_71 = arith.constant 0 : i32
      %dma_start3A_72 = tpu.memref_slice %arg6[%add3A_59, %dma_start3A_71] : memref<10240x128xf32, #tpu.memory_space<vmem_shared>> -> memref<128x128xf32, #tpu.memory_space<vmem_shared>>
      tpu.enqueue_dma source(%dma_start3A_72 : memref<128x128xf32, #tpu.memory_space<vmem_shared>>) target(%dma_start3A_70 : memref<128x128xf32, #tpu.memory_space<hbm>>) target_semaphore(%run_scoped3A : memref<!tpu.dma_semaphore, #tpu.memory_space<semaphore_mem>>)
      %dma_wait3A = arith.constant 0 : i32
      %dma_wait3A_73 = tpu.memref_slice %arg5[%add3A_62, %dma_wait3A] : memref<20480x128xf32, #tpu.memory_space<hbm>> -> memref<128x128xf32, #tpu.memory_space<hbm>>
      %dma_wait3A_74 = arith.constant 0 : i32
      %dma_wait3A_75 = tpu.memref_slice %arg6[%add3A_59, %dma_wait3A_74] : memref<10240x128xf32, #tpu.memory_space<vmem_shared>> -> memref<128x128xf32, #tpu.memory_space<vmem_shared>>
      tpu.wait_dma2 semaphore(%run_scoped3A : memref<!tpu.dma_semaphore, #tpu.memory_space<semaphore_mem>>) src(%dma_wait3A_75 : memref<128x128xf32, #tpu.memory_space<vmem_shared>>) dst(%dma_wait3A_73 : memref<128x128xf32, #tpu.memory_space<hbm>>)
      tpu.yield
    }) : () -> ()
    %mul3A_63 = arith.constant 640 : i32
    %mul3A_64 = arith.muli %arg1, %mul3A_63 : i32
    %add3A_65 = arith.constant 512 : i32
    %add3A_66 = arith.addi %mul3A_64, %add3A_65 : i32
    %mul3A_67 = arith.constant 10240 : i32
    %mul3A_68 = arith.muli %arg0, %mul3A_67 : i32
    %add3A_69 = arith.addi %mul3A_68, %add3A_66 : i32
    "tpu.region"() ({
      %run_scoped3A = tpu.sem_alloc : memref<!tpu.dma_semaphore, #tpu.memory_space<semaphore_mem>>
      %dma_start3A = arith.constant 0 : i32
      %dma_start3A_70 = tpu.memref_slice %arg5[%add3A_69, %dma_start3A] : memref<20480x128xf32, #tpu.memory_space<hbm>> -> memref<128x128xf32, #tpu.memory_space<hbm>>
      %dma_start3A_71 = arith.constant 0 : i32
      %dma_start3A_72 = tpu.memref_slice %arg6[%add3A_66, %dma_start3A_71] : memref<10240x128xf32, #tpu.memory_space<vmem_shared>> -> memref<128x128xf32, #tpu.memory_space<vmem_shared>>
      tpu.enqueue_dma source(%dma_start3A_72 : memref<128x128xf32, #tpu.memory_space<vmem_shared>>) target(%dma_start3A_70 : memref<128x128xf32, #tpu.memory_space<hbm>>) target_semaphore(%run_scoped3A : memref<!tpu.dma_semaphore, #tpu.memory_space<semaphore_mem>>)
      %dma_wait3A = arith.constant 0 : i32
      %dma_wait3A_73 = tpu.memref_slice %arg5[%add3A_69, %dma_wait3A] : memref<20480x128xf32, #tpu.memory_space<hbm>> -> memref<128x128xf32, #tpu.memory_space<hbm>>
      %dma_wait3A_74 = arith.constant 0 : i32
      %dma_wait3A_75 = tpu.memref_slice %arg6[%add3A_66, %dma_wait3A_74] : memref<10240x128xf32, #tpu.memory_space<vmem_shared>> -> memref<128x128xf32, #tpu.memory_space<vmem_shared>>
      tpu.wait_dma2 semaphore(%run_scoped3A : memref<!tpu.dma_semaphore, #tpu.memory_space<semaphore_mem>>) src(%dma_wait3A_75 : memref<128x128xf32, #tpu.memory_space<vmem_shared>>) dst(%dma_wait3A_73 : memref<128x128xf32, #tpu.memory_space<hbm>>)
      tpu.yield
    }) : () -> ()
    return
  }
}

module attributes {stable_mosaic.version = 14 : i64} {
  func.func @body(%arg0: i32, %arg1: memref<2x2048x128xf32, #tpu.memory_space<vmem>>, %arg2: memref<2048x128xf32, #tpu.memory_space<vmem>>, %arg3: memref<2048x128xf32, #tpu.memory_space<vmem>>, %arg4: memref<2048x1xf32, #tpu.memory_space<vmem>>) attributes {dimension_semantics = [#tpu.dimension_semantics<arbitrary>], iteration_bounds = array<i64: 5>, scalar_prefetch = 0 : i64, scratch_operands = 0 : i64, tpu.core_type = #tpu.core_type<tc>, window_params = [{transform_indices = @transform_0, window_bounds = array<i64: 2, 2048, 128>}, {transform_indices = @transform_1, window_bounds = array<i64: 2048, 128>}, {transform_indices = @transform_2, window_bounds = array<i64: 2048, 128>}, {transform_indices = @transform_3, window_bounds = array<i64: 2048, 1>}]} {
    %get3A = arith.constant 0 : index
    %get3A_0 = arith.constant 0 : index
    %get3A_1 = arith.constant 0 : index
    %get3A_2 = vector.load %arg1[%get3A, %get3A_0, %get3A_1] : memref<2x2048x128xf32, #tpu.memory_space<vmem>>, vector<1x2048x1xf32>
    %get3A_3 = vector.shape_cast %get3A_2 : vector<1x2048x1xf32> to vector<2048x1xf32>
    %get3A_4 = arith.constant 1 : index
    %get3A_5 = arith.constant 0 : index
    %get3A_6 = arith.constant 0 : index
    %get3A_7 = vector.load %arg1[%get3A_4, %get3A_5, %get3A_6] : memref<2x2048x128xf32, #tpu.memory_space<vmem>>, vector<1x2048x1xf32>
    %get3A_8 = vector.shape_cast %get3A_7 : vector<1x2048x1xf32> to vector<2048x1xf32>
    %add3A = arith.addf %get3A_3, %get3A_8 : vector<2048x1xf32>
    %add3A_9 = arith.constant 1.000000e+00 : f32
    %add3A_10 = vector.broadcast %add3A_9 : f32 to vector<2048x1xf32>
    %add3A_11 = arith.addf %add3A, %add3A_10 : vector<2048x1xf32>
    %rsqrt3A = math.rsqrt %add3A_11 : vector<2048x1xf32>
    %swap3A = arith.constant 0 : index
    %swap3A_12 = arith.constant 0 : index
    %swap3A_13 = vector.load %arg4[%swap3A, %swap3A_12] : memref<2048x1xf32, #tpu.memory_space<vmem>>, vector<2048x1xf32>
    tpu.vector_store %arg4[%swap3A, %swap3A_12], %rsqrt3A {strides = array<i32>} : memref<2048x1xf32, #tpu.memory_space<vmem>>, vector<2048x1xf32>,
    %get3A_14 = arith.constant 0 : index
    %get3A_15 = arith.constant 0 : index
    %get3A_16 = vector.load %arg2[%get3A_14, %get3A_15] : memref<2048x128xf32, #tpu.memory_space<vmem>>, vector<2048x128xf32>
    %mul3A = vector.broadcast %rsqrt3A : vector<2048x1xf32> to vector<2048x128xf32>
    %mul3A_17 = arith.mulf %get3A_16, %mul3A : vector<2048x128xf32>
    %swap3A_18 = arith.constant 0 : index
    %swap3A_19 = arith.constant 0 : index
    %swap3A_20 = vector.load %arg3[%swap3A_18, %swap3A_19] : memref<2048x128xf32, #tpu.memory_space<vmem>>, vector<2048x128xf32>
    tpu.vector_store %arg3[%swap3A_18, %swap3A_19], %mul3A_17 {strides = array<i32>} : memref<2048x128xf32, #tpu.memory_space<vmem>>, vector<2048x128xf32>,
    return
  }
  func.func @transform_0(%arg0: i32) -> (i32, i32, i32) {
    %c0_i32 = arith.constant 0 : i32
    %c0_i32_0 = arith.constant 0 : i32
    %c0_i32_1 = arith.constant 0 : i32
    return %c0_i32, %arg0, %c0_i32_0 : i32, i32, i32
  }
  func.func @transform_1(%arg0: i32) -> (i32, i32) {
    %c0_i32 = arith.constant 0 : i32
    %c0_i32_0 = arith.constant 0 : i32
    return %arg0, %c0_i32 : i32, i32
  }
  func.func @transform_2(%arg0: i32) -> (i32, i32) {
    %c0_i32 = arith.constant 0 : i32
    %c0_i32_0 = arith.constant 0 : i32
    return %arg0, %c0_i32 : i32, i32
  }
  func.func @transform_3(%arg0: i32) -> (i32, i32) {
    %c0_i32 = arith.constant 0 : i32
    %c0_i32_0 = arith.constant 0 : i32
    return %arg0, %c0_i32 : i32, i32
  }
}

module attributes {stable_mosaic.version = 14 : i64} {
  func.func @body(%arg0: i32, %arg1: memref<2x2048x128xf32, #tpu.memory_space<vmem>>, %arg2: memref<2048x128xf32, #tpu.memory_space<vmem>>, %arg3: memref<2048x1xf32, #tpu.memory_space<vmem>>, %arg4: memref<128x256xf32, #tpu.memory_space<vmem>>, %arg5: memref<1x256xf32, #tpu.memory_space<vmem>>, %arg6: memref<2x2048x128xf32, #tpu.memory_space<vmem>>) attributes {dimension_semantics = [#tpu.dimension_semantics<arbitrary>], iteration_bounds = array<i64: 5>, scalar_prefetch = 0 : i64, scratch_operands = 0 : i64, tpu.core_type = #tpu.core_type<tc>, window_params = [{transform_indices = @transform_0, window_bounds = array<i64: 2, 2048, 128>}, {transform_indices = @transform_1, window_bounds = array<i64: 2048, 128>}, {transform_indices = @transform_2, window_bounds = array<i64: 2048, 1>}, {pipeline_mode = #tpu.pipeline_mode<synchronous>, transform_indices = @transform_3, window_bounds = array<i64: 128, 256>}, {pipeline_mode = #tpu.pipeline_mode<synchronous>, transform_indices = @transform_4, window_bounds = array<i64: 1, 256>}, {transform_indices = @transform_5, window_bounds = array<i64: 2, 2048, 128>}]} {
    %get3A = arith.constant 0 : index
    %get3A_0 = arith.constant 0 : index
    %get3A_1 = vector.load %arg3[%get3A, %get3A_0] : memref<2048x1xf32, #tpu.memory_space<vmem>>, vector<2048x1xf32>
    %get3A_2 = arith.constant 0 : index
    %get3A_3 = arith.constant 0 : index
    %get3A_4 = arith.constant 0 : index
    %get3A_5 = vector.load %arg1[%get3A_2, %get3A_3, %get3A_4] : memref<2x2048x128xf32, #tpu.memory_space<vmem>>, vector<1x2048x128xf32>
    %get3A_6 = vector.shape_cast %get3A_5 : vector<1x2048x128xf32> to vector<2048x128xf32>
    %get3A_7 = arith.constant 1 : index
    %get3A_8 = arith.constant 0 : index
    %get3A_9 = arith.constant 0 : index
    %get3A_10 = vector.load %arg1[%get3A_7, %get3A_8, %get3A_9] : memref<2x2048x128xf32, #tpu.memory_space<vmem>>, vector<1x2048x128xf32>
    %get3A_11 = vector.shape_cast %get3A_10 : vector<1x2048x128xf32> to vector<2048x128xf32>
    %add3A = arith.addf %get3A_6, %get3A_11 : vector<2048x128xf32>
    %get3A_12 = arith.constant 0 : index
    %get3A_13 = arith.constant 0 : index
    %get3A_14 = vector.load %arg2[%get3A_12, %get3A_13] : memref<2048x128xf32, #tpu.memory_space<vmem>>, vector<2048x128xf32>
    %add3A_15 = arith.addf %add3A, %get3A_14 : vector<2048x128xf32>
    %mul3A = vector.broadcast %get3A_1 : vector<2048x1xf32> to vector<2048x128xf32>
    %mul3A_16 = arith.mulf %add3A_15, %mul3A : vector<2048x128xf32>
    %get3A_17 = arith.constant 0 : index
    %get3A_18 = arith.constant 0 : index
    %get3A_19 = vector.load %arg4[%get3A_17, %get3A_18] : memref<128x256xf32, #tpu.memory_space<vmem>>, vector<128x256xf32>
    %dot_general3A = arith.constant dense<0.000000e+00> : vector<2048x256xf32>
    %dot_general3A_20 = tpu.matmul %mul3A_16, %get3A_19, %dot_general3A {dimension_numbers = #tpu.dot_dimension_numbers<[1], [0], [0], [1], [0, 0, 1, 1], [], []>, transpose_lhs_hint = false} : vector<2048x128xf32>, vector<128x256xf32>, vector<2048x256xf32> -> vector<2048x256xf32>
    %get3A_21 = arith.constant 0 : index
    %get3A_22 = arith.constant 0 : index
    %get3A_23 = vector.load %arg5[%get3A_21, %get3A_22] : memref<1x256xf32, #tpu.memory_space<vmem>>, vector<1x256xf32>
    %add3A_24 = vector.broadcast %get3A_23 : vector<1x256xf32> to vector<2048x256xf32>
    %add3A_25 = arith.addf %dot_general3A_20, %add3A_24 : vector<2048x256xf32>
    %max3A = arith.constant 0.000000e+00 : f32
    %max3A_26 = vector.broadcast %max3A : f32 to vector<2048x256xf32>
    %max3A_27 = arith.maximumf %add3A_25, %max3A_26 : vector<2048x256xf32>
    %mul3A_28 = vector.broadcast %get3A_1 : vector<2048x1xf32> to vector<2048x256xf32>
    %mul3A_29 = arith.mulf %max3A_27, %mul3A_28 : vector<2048x256xf32>
    %slice3A = vector.extract_strided_slice %mul3A_29 {offsets = [0, 0], sizes = [2048, 128], strides = [1, 1]} : vector<2048x256xf32> to vector<2048x128xf32>
    %swap3A = arith.constant 0 : index
    %swap3A_30 = arith.constant 0 : index
    %swap3A_31 = arith.constant 0 : index
    %swap3A_32 = vector.load %arg6[%swap3A, %swap3A_30, %swap3A_31] : memref<2x2048x128xf32, #tpu.memory_space<vmem>>, vector<1x2048x128xf32>
    %swap3A_33 = vector.shape_cast %swap3A_32 : vector<1x2048x128xf32> to vector<2048x128xf32>
    %swap3A_34 = vector.shape_cast %slice3A : vector<2048x128xf32> to vector<1x2048x128xf32>
    tpu.vector_store %arg6[%swap3A, %swap3A_30, %swap3A_31], %swap3A_34 {strides = array<i32>} : memref<2x2048x128xf32, #tpu.memory_space<vmem>>, vector<1x2048x128xf32>,
    %slice3A_35 = vector.extract_strided_slice %mul3A_29 {offsets = [0, 128], sizes = [2048, 128], strides = [1, 1]} : vector<2048x256xf32> to vector<2048x128xf32>
    %swap3A_36 = arith.constant 1 : index
    %swap3A_37 = arith.constant 0 : index
    %swap3A_38 = arith.constant 0 : index
    %swap3A_39 = vector.load %arg6[%swap3A_36, %swap3A_37, %swap3A_38] : memref<2x2048x128xf32, #tpu.memory_space<vmem>>, vector<1x2048x128xf32>
    %swap3A_40 = vector.shape_cast %swap3A_39 : vector<1x2048x128xf32> to vector<2048x128xf32>
    %swap3A_41 = vector.shape_cast %slice3A_35 : vector<2048x128xf32> to vector<1x2048x128xf32>
    tpu.vector_store %arg6[%swap3A_36, %swap3A_37, %swap3A_38], %swap3A_41 {strides = array<i32>} : memref<2x2048x128xf32, #tpu.memory_space<vmem>>, vector<1x2048x128xf32>,
    return
  }
  func.func @transform_0(%arg0: i32) -> (i32, i32, i32) {
    %c0_i32 = arith.constant 0 : i32
    %c0_i32_0 = arith.constant 0 : i32
    %c0_i32_1 = arith.constant 0 : i32
    return %c0_i32, %arg0, %c0_i32_0 : i32, i32, i32
  }
  func.func @transform_1(%arg0: i32) -> (i32, i32) {
    %c0_i32 = arith.constant 0 : i32
    %c0_i32_0 = arith.constant 0 : i32
    return %arg0, %c0_i32 : i32, i32
  }
  func.func @transform_2(%arg0: i32) -> (i32, i32) {
    %c0_i32 = arith.constant 0 : i32
    %c0_i32_0 = arith.constant 0 : i32
    return %arg0, %c0_i32 : i32, i32
  }
  func.func @transform_3(%arg0: i32) -> (i32, i32) {
    %c0_i32 = arith.constant 0 : i32
    %c0_i32_0 = arith.constant 0 : i32
    %c0_i32_1 = arith.constant 0 : i32
    return %c0_i32, %c0_i32_0 : i32, i32
  }
  func.func @transform_4(%arg0: i32) -> (i32, i32) {
    %c0_i32 = arith.constant 0 : i32
    %c0_i32_0 = arith.constant 0 : i32
    %c0_i32_1 = arith.constant 0 : i32
    return %c0_i32, %c0_i32_0 : i32, i32
  }
  func.func @transform_5(%arg0: i32) -> (i32, i32, i32) {
    %c0_i32 = arith.constant 0 : i32
    %c0_i32_0 = arith.constant 0 : i32
    %c0_i32_1 = arith.constant 0 : i32
    return %c0_i32, %arg0, %c0_i32_0 : i32, i32, i32
  }
}

module attributes {stable_mosaic.version = 14 : i64} {
  func.func @body(%arg0: i32, %arg1: memref<2x2048x128xf32, #tpu.memory_space<vmem>>, %arg2: memref<2x2048x128xf32, #tpu.memory_space<vmem>>, %arg3: memref<2048x1xf32, #tpu.memory_space<vmem>>, %arg4: memref<256x256xf32, #tpu.memory_space<vmem>>, %arg5: memref<1x256xf32, #tpu.memory_space<vmem>>, %arg6: memref<2048x256xf32, #tpu.memory_space<vmem>>) attributes {dimension_semantics = [#tpu.dimension_semantics<arbitrary>], iteration_bounds = array<i64: 5>, scalar_prefetch = 0 : i64, scratch_operands = 0 : i64, tpu.core_type = #tpu.core_type<tc>, window_params = [{transform_indices = @transform_0, window_bounds = array<i64: 2, 2048, 128>}, {transform_indices = @transform_1, window_bounds = array<i64: 2, 2048, 128>}, {transform_indices = @transform_2, window_bounds = array<i64: 2048, 1>}, {pipeline_mode = #tpu.pipeline_mode<synchronous>, transform_indices = @transform_3, window_bounds = array<i64: 256, 256>}, {pipeline_mode = #tpu.pipeline_mode<synchronous>, transform_indices = @transform_4, window_bounds = array<i64: 1, 256>}, {transform_indices = @transform_5, window_bounds = array<i64: 2048, 256>}]} {
    %get3A = arith.constant 0 : index
    %get3A_0 = arith.constant 0 : index
    %get3A_1 = vector.load %arg3[%get3A, %get3A_0] : memref<2048x1xf32, #tpu.memory_space<vmem>>, vector<2048x1xf32>
    %get3A_2 = arith.constant 0 : index
    %get3A_3 = arith.constant 0 : index
    %get3A_4 = arith.constant 0 : index
    %get3A_5 = vector.load %arg1[%get3A_2, %get3A_3, %get3A_4] : memref<2x2048x128xf32, #tpu.memory_space<vmem>>, vector<1x2048x128xf32>
    %get3A_6 = vector.shape_cast %get3A_5 : vector<1x2048x128xf32> to vector<2048x128xf32>
    %get3A_7 = arith.constant 0 : index
    %get3A_8 = arith.constant 0 : index
    %get3A_9 = arith.constant 0 : index
    %get3A_10 = vector.load %arg2[%get3A_7, %get3A_8, %get3A_9] : memref<2x2048x128xf32, #tpu.memory_space<vmem>>, vector<1x2048x128xf32>
    %get3A_11 = vector.shape_cast %get3A_10 : vector<1x2048x128xf32> to vector<2048x128xf32>
    %add3A = arith.addf %get3A_6, %get3A_11 : vector<2048x128xf32>
    %mul3A = vector.broadcast %get3A_1 : vector<2048x1xf32> to vector<2048x128xf32>
    %mul3A_12 = arith.mulf %add3A, %mul3A : vector<2048x128xf32>
    %get3A_13 = arith.constant 1 : index
    %get3A_14 = arith.constant 0 : index
    %get3A_15 = arith.constant 0 : index
    %get3A_16 = vector.load %arg1[%get3A_13, %get3A_14, %get3A_15] : memref<2x2048x128xf32, #tpu.memory_space<vmem>>, vector<1x2048x128xf32>
    %get3A_17 = vector.shape_cast %get3A_16 : vector<1x2048x128xf32> to vector<2048x128xf32>
    %get3A_18 = arith.constant 1 : index
    %get3A_19 = arith.constant 0 : index
    %get3A_20 = arith.constant 0 : index
    %get3A_21 = vector.load %arg2[%get3A_18, %get3A_19, %get3A_20] : memref<2x2048x128xf32, #tpu.memory_space<vmem>>, vector<1x2048x128xf32>
    %get3A_22 = vector.shape_cast %get3A_21 : vector<1x2048x128xf32> to vector<2048x128xf32>
    %add3A_23 = arith.addf %get3A_17, %get3A_22 : vector<2048x128xf32>
    %mul3A_24 = vector.broadcast %get3A_1 : vector<2048x1xf32> to vector<2048x128xf32>
    %mul3A_25 = arith.mulf %add3A_23, %mul3A_24 : vector<2048x128xf32>
    %concatenate3A = tpu.concatenate %mul3A_12, %mul3A_25 in 1 : vector<2048x128xf32>, vector<2048x128xf32> -> vector<2048x256xf32>
    %get3A_26 = arith.constant 0 : index
    %get3A_27 = arith.constant 0 : index
    %get3A_28 = vector.load %arg4[%get3A_26, %get3A_27] : memref<256x256xf32, #tpu.memory_space<vmem>>, vector<256x256xf32>
    %dot_general3A = arith.constant dense<0.000000e+00> : vector<2048x256xf32>
    %dot_general3A_29 = tpu.matmul %concatenate3A, %get3A_28, %dot_general3A {dimension_numbers = #tpu.dot_dimension_numbers<[1], [0], [0], [1], [0, 0, 1, 1], [], []>, transpose_lhs_hint = false} : vector<2048x256xf32>, vector<256x256xf32>, vector<2048x256xf32> -> vector<2048x256xf32>
    %get3A_30 = arith.constant 0 : index
    %get3A_31 = arith.constant 0 : index
    %get3A_32 = vector.load %arg5[%get3A_30, %get3A_31] : memref<1x256xf32, #tpu.memory_space<vmem>>, vector<1x256xf32>
    %add3A_33 = vector.broadcast %get3A_32 : vector<1x256xf32> to vector<2048x256xf32>
    %add3A_34 = arith.addf %dot_general3A_29, %add3A_33 : vector<2048x256xf32>
    %swap3A = arith.constant 0 : index
    %swap3A_35 = arith.constant 0 : index
    %swap3A_36 = vector.load %arg6[%swap3A, %swap3A_35] : memref<2048x256xf32, #tpu.memory_space<vmem>>, vector<2048x256xf32>
    tpu.vector_store %arg6[%swap3A, %swap3A_35], %add3A_34 {strides = array<i32>} : memref<2048x256xf32, #tpu.memory_space<vmem>>, vector<2048x256xf32>,
    return
  }
  func.func @transform_0(%arg0: i32) -> (i32, i32, i32) {
    %c0_i32 = arith.constant 0 : i32
    %c0_i32_0 = arith.constant 0 : i32
    %c0_i32_1 = arith.constant 0 : i32
    return %c0_i32, %arg0, %c0_i32_0 : i32, i32, i32
  }
  func.func @transform_1(%arg0: i32) -> (i32, i32, i32) {
    %c0_i32 = arith.constant 0 : i32
    %c0_i32_0 = arith.constant 0 : i32
    %c0_i32_1 = arith.constant 0 : i32
    return %c0_i32, %arg0, %c0_i32_0 : i32, i32, i32
  }
  func.func @transform_2(%arg0: i32) -> (i32, i32) {
    %c0_i32 = arith.constant 0 : i32
    %c0_i32_0 = arith.constant 0 : i32
    return %arg0, %c0_i32 : i32, i32
  }
  func.func @transform_3(%arg0: i32) -> (i32, i32) {
    %c0_i32 = arith.constant 0 : i32
    %c0_i32_0 = arith.constant 0 : i32
    %c0_i32_1 = arith.constant 0 : i32
    return %c0_i32, %c0_i32_0 : i32, i32
  }
  func.func @transform_4(%arg0: i32) -> (i32, i32) {
    %c0_i32 = arith.constant 0 : i32
    %c0_i32_0 = arith.constant 0 : i32
    %c0_i32_1 = arith.constant 0 : i32
    return %c0_i32, %c0_i32_0 : i32, i32
  }
  func.func @transform_5(%arg0: i32) -> (i32, i32) {
    %c0_i32 = arith.constant 0 : i32
    %c0_i32_0 = arith.constant 0 : i32
    return %arg0, %c0_i32 : i32, i32
  }
}

</mosaic_0001>

<sc_bundles>
// kernel: kernel.11.cloned.1.call-start
scs
__scs_entry_jumppad:
0x0: {  	(pc) =	sbr.rel $0x88, $3  }
0x1: {  	(tag) =	ssettag $0x0;
	lr =	simm.s32 $0x1  }
0x2: {  	[smem:$0x3F9B] =	sst lr;
	_ =	strace $0xD0000000  }
0x3: {  	_ = 	snop  }
0x4: {  	_ = 	snop  }
0x5: {  	_ = 	snop  }
0x6: {  	_ = 	snop  }
0x7: {  	_ = 	snop  }
__scs_overlays_trampoline_lowered:
0x8: {  	[smem:$0x3FAA] =	sst s0  }
0x9: {  	[smem:$0x3FAB] =	sst s1  }
0xa: {  	[smem:$0x3FAC] =	sst s2  }
0xb: {  	[smem:$0x3FAD] =	sst s3  }
0xc: {  	[smem:$0x3FAE] =	sst s4  }
0xd: {  	[smem:$0x3FAF] =	sst s5  }
0xe: {  	[smem:$0x3FB0] =	sst s6  }
0xf: {  	[smem:$0x3FB1] =	sst s7  }
0x10: {  	[smem:$0x3FB2] =	sst s8  }
0x11: {  	[smem:$0x3FB3] =	sst s9;
	s0 =	simm.s32 @!p0 $0x0  }
0x12: {  	s1 =	sld [smem:$0x3F99];
	s0 =	simm.s32 @p0 $0x1  }
0x13: {  	[smem:$0x3FB4] =	sst s0;
	s0 =	simm.s32 @!p1 $0x0  }
0x14: {  	s2 =	sld [smem:$0x3F98];
	s0 =	simm.s32 @p1 $0x1  }
0x15: {  	[smem:$0x3FB5] =	sst s0;
	s0 =	simm.s32 @!p2 $0x0  }
0x16: {  	s3 =	sld [smem:$0x3FDB];
	s0 =	simm.s32 @p2 $0x1  }
0x17: {  	s4 =	simm.s32 $0x1BF5;
	[smem:$0x3FB7] =	sst s0  }
0x18: {  	s0 =	sld [smem:$0x3F9A];
	_ =	swait.ge [sflag:s4], $0x0  }
0x19: {  	s7 =	sld [smem:$0x3F9B]  }
0x1a: {  	s8 =	sadd.s32 $0xFFFFE003, lr  }
0x1b: {  	s9 =	sadd.s32 $0xFFFFFEF7, lr;
	s5 =	simm.s32 $0xFFFFFFFF;
	p2 =	slt.u32 s8, $0xFFFFF086  }
0x1c: {  	p1 =	slt.u32 s9, $0xF7A;
	s5 =	simm.s32 @!p2 $0x0  }
0x1d: {  	s5 =	simm.s32 @p1 $0x1;
	p0 =	seq.s32 s7, s2  }
0x1e: {  	s7 =	smul.u32 @!p0 $0xF7A, s2;
	p2 =	seq.s32 @!p0 s5, $0x0  }
0x1f: {  	s9 =	smul.u32 $0xF7A, s1;
	s8 =	simm.s32 @!p0 $0x1BF5;
	p2 =	por !p2, p0  }
0x20: {  	[sflag:s8] =	ssyncset.s32 @!p0 $0xFFFFF086;
	s6 =	sadd.s32 @!p0 s3, s7;
	s7 =	simm.s32 @!p0 $0x108  }
0x21: {  	s3 =	sadd.s32 s3, s9;
	s6 =	sadd.s32 @!p0 $0x88, s6;
	s7 =	simm.s32 @p2 $0x1082  }
0x22: {  	[simem:s7], [sflag:s8] =	dma.local @!p0 [hbm:s6], $0xF7A  }
0x23: {  	s9 =	sor.u32 $0xD0000000, s2;
	s6 =	simm.s32 $0x108;
	_ =	swait.ge @!p0 [sflag:s8], $0x0  }
0x24: {  	s3 =	sadd.s32 $0x88, s3;
	s6 =	simm.s32 @!p1 $0x1082;
	[sflag:s4] =	ssyncset.s32 $0xFFFFF086  }
0x25: {  	[simem:s6], [sflag:s4] =	dma.local [hbm:s3], $0xF7A  }
0x26: {  	[smem:$0x3F9B] =	sst s1;
	(tag) =	ssettag s2;
	_ =	strace s9  }
0x27: {  	s1 =	sld [smem:$0x3FAB]  }
0x28: {  	s2 =	sld [smem:$0x3FAC]  }
0x29: {  	s4 =	sld [smem:$0x3FAE]  }
0x2a: {  	p0 =	seq.s32 s5, $0x0;
	s5 =	sld [smem:$0x3FAF]  }
0x2b: {  	s6 =	sld [smem:$0x3FB0]  }
0x2c: {  	s7 =	sld [smem:$0x3FB1]  }
0x2d: {  	s3 =	simm.s32 $0x108;
	s8 =	sld [smem:$0x3FB2]  }
0x2e: {  	s3 =	simm.s32 @!p0 $0x1082;
	s9 =	sld [smem:$0x3FB3]  }
0x2f: {  	lr =	sadd.s32 s0, s3;
	s0 =	sld [smem:$0x3FAA]  }
0x30: {  	s3 =	sld [smem:$0x3FAD]  }
0x31: {  	[smem:$0x3FB6] =	sst s10  }
0x32: {  	s10 =	sld [smem:$0x3FB4];
	_ =	sdelay $0x3  }
0x33: {  	p0 =	seq.s32 s10, $0x1;
	s10 =	sld [smem:$0x3FB6];
	_ =	sdelay $0x3  }
0x34: {  	[smem:$0x3FB6] =	sst s10  }
0x35: {  	s10 =	sld [smem:$0x3FB5];
	_ =	sdelay $0x3  }
0x36: {  	p1 =	seq.s32 s10, $0x1;
	s10 =	sld [smem:$0x3FB6];
	_ =	sdelay $0x3  }
0x37: {  	[smem:$0x3FB6] =	sst s10  }
0x38: {  	s10 =	sld [smem:$0x3FB7]  }
0x39: {  	_ = 	snop;
	(pc) =	sbr.ind lr, $3  }
0x3a: {  	_ = 	snop  }
0x3b: {  	_ = 	snop  }
0x3c: {  	p2 =	seq.s32 s10, $0x1;
	s10 =	sld [smem:$0x3FB6]  }
0x3d: {  	_ =	shalt  }
0x3e: {  	_ =	shalt  }
0x3f: {  	_ =	shalt  }
0x40: {  	_ =	shalt  }
0x41: {  	_ =	shalt  }
0x42: {  	_ =	shalt  }
0x43: {  	_ =	shalt  }
0x44: {  	_ =	shalt  }
0x45: {  	_ =	shalt  }
0x46: {  	_ =	shalt  }
0x47: {  	_ =	shalt  }
0x48: {  	_ =	shalt  }
0x49: {  	_ =	shalt  }
0x4a: {  	_ =	shalt  }
0x4b: {  	_ =	shalt  }
0x4c: {  	_ =	shalt  }
0x4d: {  	_ =	shalt  }
0x4e: {  	_ =	shalt  }
0x4f: {  	_ =	shalt  }
0x50: {  	_ =	shalt  }
0x51: {  	_ =	shalt  }
0x52: {  	_ =	shalt  }
0x53: {  	_ =	shalt  }
0x54: {  	_ =	shalt  }
0x55: {  	_ =	shalt  }
0x56: {  	_ =	shalt  }
0x57: {  	_ =	shalt  }
0x58: {  	_ =	shalt  }
0x59: {  	_ =	shalt  }
0x5a: {  	_ =	shalt  }
0x5b: {  	_ =	shalt  }
0x5c: {  	_ =	shalt  }
0x5d: {  	_ =	shalt  }
0x5e: {  	_ =	shalt  }
0x5f: {  	_ =	shalt  }
0x60: {  	_ =	shalt  }
0x61: {  	_ =	shalt  }
0x62: {  	_ =	shalt  }
0x63: {  	_ =	shalt  }
0x64: {  	_ =	shalt  }
0x65: {  	_ =	shalt  }
0x66: {  	_ =	shalt  }
0x67: {  	_ =	shalt  }
0x68: {  	_ =	shalt  }
0x69: {  	_ =	shalt  }
0x6a: {  	_ =	shalt  }
0x6b: {  	_ =	shalt  }
0x6c: {  	_ =	shalt  }
0x6d: {  	_ =	shalt  }
0x6e: {  	_ =	shalt  }
0x6f: {  	_ =	shalt  }
0x70: {  	_ =	shalt  }
0x71: {  	_ =	shalt  }
0x72: {  	_ =	shalt  }
0x73: {  	_ =	shalt  }
0x74: {  	_ =	shalt  }
0x75: {  	_ =	shalt  }
0x76: {  	_ =	shalt  }
0x77: {  	_ =	shalt  }
0x78: {  	_ =	shalt  }
0x79: {  	_ =	shalt  }
0x7a: {  	_ =	shalt  }
0x7b: {  	_ =	shalt  }
0x7c: {  	_ =	shalt  }
0x7d: {  	_ =	shalt  }
0x7e: {  	_ =	shalt  }
0x7f: {  	_ =	shalt  }
0x80: {  	_ =	shalt  }
0x81: {  	_ =	shalt  }
0x82: {  	_ =	shalt  }
0x83: {  	_ =	shalt  }
0x84: {  	_ =	shalt  }
0x85: {  	_ =	shalt  }
0x86: {  	_ =	shalt  }
0x87: {  	_ =	shalt  }
.Lfunc_end0:
.L_simem_size_0:
called_computation.1_lowered:
.L_overlay_start_0:
0x88: {  	s2 =	sld [smem:$0x3FD9]  }
0x89: {  	s3 =	sld [smem:$0x3FFE];
	_ =	sdelay $0x1  }
0x8a: {  	s1 =	srdreg.scid  }
0x8b: {  	s0 =	sand.u32 $0x1, s1  }
0x8c: {  	s17 =	sshll.u32 s0, $0xA;
	s2 =	sadd.s32 s3, s2  }
0x8d: {  	s2 =	sadd.s32 s2, s17  }
0x8e: {  	[smem:$0x3FC2] =	sst s2  }
0x8f: {  	_ = 	snop  }
0x90: {  	s2 =	sld [smem:$0x3FD0];
	(tm) =	ssettm $0x1  }
0x91: {  	s18 =	sld [smem:$0x3FFB];
	_ =	sdelay $0x3  }
0x92: {  	_ =	strace s18  }
0x93: {  	s3 =	sld [smem:$0x3FFC];
	_ =	sdelay $0x3  }
0x94: {  	_ =	strace s3  }
0x95: {  	s3 =	sld [smem:$0x3FFD];
	_ =	sdelay $0x3  }
0x96: {  	_ =	strace s3  }
0x97: {  	_ =	strace $0x8FFFFFFF  }
0x98: {  	s19 =	sld [smem:$0x3FDB];
	_ =	sdelay $0x1  }
0x99: {  	s4 =	simm.s32 $_scs_section_size  }
0x9a: {  	s5 =	simm.s32 $_size__tile_overlayer_lowered;
	s6 =	simm.s32 $_tile_overlayer_lowered  }
0x9b: {  	s22 =	simm.s32 $0x1BFF;
	s21 =	sshll.u32 s6, $0x1;
	s3 =	sadd.s32 s4, s19  }
0x9c: {  	s7 =	simm.s32 $0x0;
	s20 =	sshll.u32 s5, $0x1;
	s5 =	sadd.s32 s21, s3  }
0x9d: {  	[timem:s7], [sflag:s22] =	dma.local [hbm:s5], s20  }
0x9e: {  	_ =	swait.ge [sflag:s22], s20  }
0x9f: {  	s4 =	ssub.s32 $0x0, s20;
	[sflag:s22] =	ssyncset.done $0x0  }
0xa0: {  	[sflag:s22] =	ssyncadd.s32 s4;
	_ =	sdelay $0x1  }
0xa1: {  	s23 =	simm.s32 $0x1B8B  }
0xa2: {  	_ =	swait.ge [sflag:s23], $0x1  }
0xa3: {  	[sflag:s23] =	ssyncset.done $0x0  }
0xa4: {  	s25 =	simm.s32 $0x1B8E;
	s24 =	sld [smem:$0x3FFE];
	[sflag:s23] =	ssyncadd.s32 $0xFFFFFFFF  }
0xa5: {  	s26 =	simm.s32 $execute0_lowered;
	[smem:$0x3FD2] =	sst s25  }
0xa6: {  	s5 =	sshll.u32 s26, $0x1;
	_ =	strace $0x80000049;
	[dreg:$0x1] =	wrdreg $0xFFFFFFFF  }
0xa7: {  	s28 =	simm.s32 $_size_execute0_lowered;
	s3 =	sadd.s32 s3, s5;
	[dreg:$0x0] =	wrdreg $0x0  }
0xa8: {  	s5 =	sshll.u32 s28, $0x1;
	[dreg:$0x2] =	wrdreg s3  }
0xa9: {  	[dreg:$0x3] =	wrdreg s5  }
0xaa: {  	[dreg:$0x4] =	wrdreg $0xC0  }
0xab: {  	_ =	task [dreg:s7], $0x5FFFF  }
0xac: {  	[dreg:$0x1] =	wrdreg $0xFFFFFFFF  }
0xad: {  	[dreg:$0x0] =	wrdreg $0x60  }
0xae: {  	[dreg:$0x2] =	wrdreg s2  }
0xaf: {  	[dreg:$0x3] =	wrdreg s24  }
0xb0: {  	[dreg:$0x4] =	wrdreg $0x0  }
0xb1: {  	[dreg:$0x5] =	wrdreg $0x9  }
0xb2: {  	_ =	task.clear_ibuf [dreg:s7], $0x6FFFF;
	_ =	strace $0x90000049  }
0xb3: {  	s29 =	simm.s32 $0x9;
	_ =	strace $0x8000004B  }
0xb4: {  	_ =	swait.ge [sflag:s29], $0x1  }
0xb5: {  	[sflag:s29] =	ssyncadd.s32 $0xFFFFFFFF  }
0xb6: {  	_ =	strace $0x9000004B  }
0xb7: {  	_ =	sfence  }
0xb8: {  	s30 =	sld [smem:$0x0];
	_ =	sdelay $0x2  }
0xb9: {  	s31 =	sshll.u32 s1, $0xD;
	s1 =	sshrl.u32 s1, $0x2  }
0xba: {  	s3 =	sand.u32 $0x4000, s31;
	s1 =	sadd.s32 s1, s30  }
0xbb: {  	s0 =	sor.u32 s3, s0;
	s1 =	sshll.u32 s1, $0x11  }
0xbc: {  	s0 =	sor.u32 s1, s0  }
0xbd: {  	s0 =	sadd.s32 $0x8F2B, s0  }
0xbe: {  	[sflag:s0] =	ssyncadd.remote.s32 $0x1  }
0xbf: {  	_ =	sfence.sel $0xFFFF  }
0xc0: {  	[dreg:$0x0] =	wrdreg $0xFFFFFFFF;
	(pc) =	sbr.abs _section_cstart, $3  }
0xc1: {  	[dreg:$0x1] =	wrdreg $0xFFFFFFFF  }
0xc2: {  	_ =	task.clear_ibuf [dreg:s7], $0x2FFFF;
	_ =	strace $0x9FFFFFFF  }
0xc3: {  	(tm) =	ssettm $0x7FFFFFFF  }
tec
execute0_lowered:
.L_overlay_start_1:
0x0: {  	(tag) =	ssettag $0x1  }
0x1: {  	s1 =	rddreg [dreg:$0x0]  }
0x2: {  	s5 =	rddreg [dreg:$0x1];
	s3 =	srdreg.scid  }
0x3: {  	s2 =	rddreg [dreg:$0x2];
	s7 =	sand.u32 $0x1, s3  }
0x4: {  	s3 =	stileid.u32;
	s6 =	smul.u32 $0x4F00, s7  }
0x5: {  	s0 =	rddreg [dreg:$0x3];
	s4 =	simm.s32 $0x0;
	s9 =	smul.u32 $0x280, s3  }
0x6: {  	s20 =	simm.s32 $0x18000;
	s21 =	simm.s32 $0x18080;
	s8 =	smul.u32 $0x50000, s3  }
0x7: {  	[smem:$0x7FF] =	sst s4;
	s15 =	sadd.s32 $0xBA00, s5;
	s17 =	smul.u32 $0x2800, s7  }
0x8: {  	_ =	strace $0x8000004A;
	s22 =	ssub.s32 $0x2, s7;
	s30 =	smul.u32 $0x4F0, s3  }
0x9: {  	s23 =	sshrl.u32 s22, $0x1;
	s14 =	sadd.s32 s6, s5;
	s8 =	sshrl.u32 s8, $0x2  }
0xa: {  	s10 =	sadd.s32 $0x80, s9;
	s16 =	ssub.s32 s22, s23;
	s12 =	sadd.s32 $0x100, s9  }
0xb: {  	s13 =	sadd.s32 $0x180, s9;
	s18 =	sadd.s32 $0x200, s9;
	s19 =	sadd.s32 s9, s17  }
0xc: {  	s22 =	simm.s32 $0x80;
	s23 =	simm.s32 $0x18100;
	s5 =	sadd.s32 s8, s2  }
0xd: {  	s24 =	sshll.u32 s10, $0x7;
	s25 =	sshll.u32 s12, $0x7;
	s11 =	sshll.u32 s13, $0x7  }
0xe: {  	s26 =	sshll.u32 s18, $0x7;
	s10 =	sadd.s32 s17, s10;
	s28 =	sshll.u32 s19, $0x4  }
0xf: {  	s12 =	sadd.s32 s17, s12;
	s13 =	sadd.s32 s17, s13;
	s17 =	sadd.s32 s17, s18  }
0x10: {  	s31 =	sadd.s32 s30, s14;
	s18 =	simm.s32 $0x14000;
	s19 =	simm.s32 $0x2  }
0x11: {  	s6 =	sadd.s32 s24, s2;
	s7 =	sadd.s32 s25, s2;
	s8 =	sadd.s32 s11, s2  }
0x12: {  	s9 =	sadd.s32 s26, s2;
	s29 =	sshll.u32 s10, $0x4;
	s10 =	sadd.s32 s15, s28  }
0x13: {  	s12 =	sshll.u32 s12, $0x4;
	s13 =	sshll.u32 s13, $0x4;
	s17 =	sshll.u32 s17, $0x4  }
0x14: {  	s24 =	simm.s32 $0x1;
	s25 =	simm.s32 $0x0;
	s11 =	sadd.s32 s15, s29  }
0x15: {  	s12 =	sadd.s32 s15, s12;
	s13 =	sadd.s32 s15, s13;
	s14 =	sadd.s32 s15, s17  }
0x16: {  	v0 =	vimm.f32 $0.0e+00;
	s15 =	smax.u32 s16, $0x1;
	s16 =	sadd.s32 $0x1C00, s31;
	s17 =	sadd.s32 $0x5BA00, s31  }
.LBB2_1:
0x17: {  	s26 =	simm.s32 $0x0;
	s28 =	simm.s32 $0x200  }
.LBB2_2:
0x18: {  	p0 =	sne.s32 s28, $0xFE00;
	[tilespmem:s26+$0x14070] =	vst v0  }
0x19: {  	[tilespmem:s26+$0x14000] =	vst v0  }
0x1a: {  	[tilespmem:s26+$0x14010] =	vst v0  }
.Ltmp0:
0x1b: {  	[tilespmem:s26+$0x14020] =	vst v0;
	(pc) =	sbr.rel @p0 .LBB2_2-.Ltmp0, $4  }
0x1c: {  	[tilespmem:s26+$0x14030] =	vst v0  }
0x1d: {  	[tilespmem:s26+$0x14040] =	vst v0  }
0x1e: {  	[tilespmem:s26+$0x14050] =	vst v0  }
0x1f: {  	[tilespmem:s26+$0x14060] =	vst v0;
	s26 =	sshra.s32 s28, $0x2;
	s28 =	sadd.s32 $0x200, s28  }
0x20: {  	[tilespmem:s26+$0x14070] =	vst v0  }
0x21: {  	[tilespmem:s26+$0x14000] =	vst v0  }
0x22: {  	[tilespmem:s26+$0x14010] =	vst v0  }
0x23: {  	[tilespmem:s26+$0x14020] =	vst v0  }
0x24: {  	[tilespmem:s26+$0x14030] =	vst v0  }
0x25: {  	[tilespmem:s26+$0x14040] =	vst v0  }
0x26: {  	[tilespmem:s26+$0x14050] =	vst v0  }
0x27: {  	[tilespmem:s26+$0x14060] =	vst v0  }
0x28: {  	[spmem:s5] =	stream.linear.scatter [tilespmem:s18], [sflag:$0x2], $0x4000, $0x38;
	[tilespmem:$0x18180] =	vst v63  }
0x29: {  	_ =	swait.ge [sflag:s19], $0x4000  }
0x2a: {  	[sflag:s19] =	ssyncset.done $0x0  }
0x2b: {  	[sflag:s19] =	ssyncadd.s32 $0xFFFFC000  }
0x2c: {  	[spmem:s6] =	stream.linear.scatter [tilespmem:s18], [sflag:$0x2], $0x4000, $0x38;
	[tilespmem:$0x18180] =	vst v63  }
0x2d: {  	_ =	swait.ge [sflag:s19], $0x4000  }
0x2e: {  	[sflag:s19] =	ssyncset.done $0x0  }
0x2f: {  	[sflag:s19] =	ssyncadd.s32 $0xFFFFC000  }
0x30: {  	[spmem:s7] =	stream.linear.scatter [tilespmem:s18], [sflag:$0x2], $0x4000, $0x38;
	[tilespmem:$0x18180] =	vst v63  }
0x31: {  	_ =	swait.ge [sflag:s19], $0x4000  }
0x32: {  	[sflag:s19] =	ssyncset.done $0x0  }
0x33: {  	[sflag:s19] =	ssyncadd.s32 $0xFFFFC000  }
0x34: {  	[spmem:s8] =	stream.linear.scatter [tilespmem:s18], [sflag:$0x2], $0x4000, $0x38;
	[tilespmem:$0x18180] =	vst v63  }
0x35: {  	_ =	swait.ge [sflag:s19], $0x4000  }
0x36: {  	[sflag:s19] =	ssyncset.done $0x0  }
0x37: {  	[sflag:s19] =	ssyncadd.s32 $0xFFFFC000  }
0x38: {  	[spmem:s9] =	stream.linear.scatter [tilespmem:s18], [sflag:$0x2], $0x4000, $0x38;
	[tilespmem:$0x18180] =	vst v63  }
0x39: {  	_ =	swait.ge [sflag:s19], $0x4000  }
0x3a: {  	[sflag:s19] =	ssyncset.done $0x0  }
0x3b: {  	[sflag:s19] =	ssyncadd.s32 $0xFFFFC000  }
0x3c: {  	s30 =	sadd.s32 $0x0, s17;
	[bflag:$0x0] =	sbarrier.arrive $0xFFFF  }
0x3d: {  	[tilespmem:s20], [sflag:$0x2] =	stream.linear.gather [hbm4b:s30+s4], $0x80, $0x38;
	[tilespmem:$0x18180] =	vst v63  }
0x3e: {  	_ =	swait.ge [sflag:s19], $0x80  }
0x3f: {  	[sflag:s19] =	ssyncset.done $0x0  }
0x40: {  	s31 =	sadd.s32 $0x0, s16;
	[sflag:s19] =	ssyncadd.s32 $0xFFFFFF80  }
0x41: {  	[tilespmem:s21], [sflag:$0x2] =	stream.linear.gather [hbm4b:s31+s4], $0x80, $0x38;
	[tilespmem:$0x18180] =	vst v63  }
0x42: {  	_ =	swait.ge [sflag:s19], $0x80  }
0x43: {  	[sflag:s19] =	ssyncset.done $0x0  }
0x44: {  	[sflag:s19] =	ssyncadd.s32 $0xFFFFFF80  }
0x45: {  	v1 =	vld [tilespmem:$0x18070]  }
0x46: {  	v2 =	vld [tilespmem:$0x18050]  }
0x47: {  	v3 =	vld [tilespmem:$0x18060]  }
0x48: {  	v4 =	vld [tilespmem:$0x18030]  }
0x49: {  	v5 =	vld [tilespmem:$0x18000]  }
0x4a: {  	v6 =	vld [tilespmem:$0x18040];
	[tilespmem:$0x18170] =	vst v1  }
0x4b: {  	v1 =	vld [tilespmem:$0x18020];
	[tilespmem:$0x18150] =	vst v2  }
0x4c: {  	v2 =	vld [tilespmem:$0x18010];
	[tilespmem:$0x18160] =	vst v3  }
0x4d: {  	[tilespmem:$0x18130] =	vst v4  }
0x4e: {  	[tilespmem:$0x18100] =	vst v5  }
0x4f: {  	[tilespmem:$0x18140] =	vst v6  }
0x50: {  	[tilespmem:$0x18120] =	vst v1  }
0x51: {  	s26 =	simm.s32 $0x10;
	[tilespmem:$0x18110] =	vst v2  }
.LBB2_4:
0x52: {  	[tilespmem:s18], [sflag:$0x1] =	stream.indirect.gather [hbm4b:s1+s22], $0x80, s23, s22, $0xb8;
	[tilespmem:$0x18180] =	vst v63  }
0x53: {  	s28 =	smov.u32 s26  }
0x54: {  	p0 =	sne.s32 s26, $0x4E0;
	s26 =	sadd.s32 $0x10, s26;
	_ =	swait.ge [sflag:s24], $0x4000  }
0x55: {  	[sflag:s24] =	ssyncset.done $0x0  }
0x56: {  	[sflag:s24] =	ssyncadd.s32 $0xFFFFC000  }
0x57: {  	[spmem:s2] =	stream.indirect.scatter.add.f32 [tilespmem:s18], [sflag:$0x2], $0x80, s21, s22, $0xb8;
	[tilespmem:$0x18180] =	vst v63  }
0x58: {  	_ =	swait.ge [sflag:s19], $0x4000  }
0x59: {  	[sflag:s19] =	ssyncset.done $0x0  }
0x5a: {  	s29 =	sadd.s32 s28, s17;
	[sflag:s19] =	ssyncadd.s32 $0xFFFFC000  }
0x5b: {  	[tilespmem:s20], [sflag:$0x2] =	stream.linear.gather [hbm4b:s29+s4], $0x80, $0x38;
	[tilespmem:$0x18180] =	vst v63  }
0x5c: {  	_ =	swait.ge [sflag:s19], $0x80  }
0x5d: {  	[sflag:s19] =	ssyncset.done $0x0  }
0x5e: {  	s28 =	sadd.s32 s28, s16;
	[sflag:s19] =	ssyncadd.s32 $0xFFFFFF80  }
0x5f: {  	[tilespmem:s21], [sflag:$0x2] =	stream.linear.gather [hbm4b:s28+s4], $0x80, $0x38;
	[tilespmem:$0x18180] =	vst v63  }
0x60: {  	_ =	swait.ge [sflag:s19], $0x80  }
0x61: {  	[sflag:s19] =	ssyncset.done $0x0  }
0x62: {  	[sflag:s19] =	ssyncadd.s32 $0xFFFFFF80  }
0x63: {  	v1 =	vld [tilespmem:$0x18070]  }
0x64: {  	v2 =	vld [tilespmem:$0x18050]  }
0x65: {  	v3 =	vld [tilespmem:$0x18060]  }
0x66: {  	v4 =	vld [tilespmem:$0x18030]  }
0x67: {  	v5 =	vld [tilespmem:$0x18000]  }
0x68: {  	v6 =	vld [tilespmem:$0x18040];
	[tilespmem:$0x18170] =	vst v1  }
0x69: {  	v1 =	vld [tilespmem:$0x18020];
	[tilespmem:$0x18150] =	vst v2  }
0x6a: {  	v2 =	vld [tilespmem:$0x18010];
	[tilespmem:$0x18160] =	vst v3  }
.Ltmp1:
0x6b: {  	[tilespmem:$0x18130] =	vst v4;
	(pc) =	sbr.rel @p0 .LBB2_4-.Ltmp1, $4  }
0x6c: {  	[tilespmem:$0x18100] =	vst v5  }
0x6d: {  	[tilespmem:$0x18140] =	vst v6  }
0x6e: {  	[tilespmem:$0x18120] =	vst v1  }
0x6f: {  	[tilespmem:$0x18110] =	vst v2  }
0x70: {  	[tilespmem:s18], [sflag:$0x1] =	stream.indirect.gather [hbm4b:s1+s22], $0x80, s23, s22, $0xb8;
	[tilespmem:$0x18180] =	vst v63  }
0x71: {  	_ =	swait.ge [sflag:s24], $0x4000  }
0x72: {  	[sflag:s24] =	ssyncset.done $0x0  }
0x73: {  	[sflag:s24] =	ssyncadd.s32 $0xFFFFC000  }
0x74: {  	[spmem:s2] =	stream.indirect.scatter.add.f32 [tilespmem:s18], [sflag:$0x2], $0x80, s21, s22, $0xb8;
	[tilespmem:$0x18180] =	vst v63  }
0x75: {  	_ =	swait.ge [sflag:s19], $0x4000  }
0x76: {  	[sflag:s19] =	ssyncset.done $0x0  }
0x77: {  	s26 =	sshll.u32 s3, $0x6;
	[sflag:s19] =	ssyncadd.s32 $0xFFFFC000  }
0x78: {  	s28 =	sshrl.u32 s5, $0x3;
	s26 =	sor.u32 $0x1C02, s26;
	[bflag:$0x0] =	sbarrier.arrive $0xFFFF  }
0x79: {  	[hbm:s10], [sflag:s26] =	dma.local [spmem:s28], $0x800  }
0x7a: {  	_ =	swait.ge [sflag:s19], $0x800  }
0x7b: {  	[sflag:s19] =	ssyncset.done $0x0  }
0x7c: {  	s31 =	sshrl.u32 s6, $0x3;
	[sflag:s19] =	ssyncadd.s32 $0xFFFFF800  }
0x7d: {  	[hbm:s11], [sflag:s26] =	dma.local [spmem:s31], $0x800  }
0x7e: {  	_ =	swait.ge [sflag:s19], $0x800  }
0x7f: {  	[sflag:s19] =	ssyncset.done $0x0  }
0x80: {  	s29 =	sshrl.u32 s7, $0x3;
	[sflag:s19] =	ssyncadd.s32 $0xFFFFF800  }
0x81: {  	[hbm:s12], [sflag:s26] =	dma.local [spmem:s29], $0x800  }
0x82: {  	_ =	swait.ge [sflag:s19], $0x800  }
0x83: {  	[sflag:s19] =	ssyncset.done $0x0  }
0x84: {  	s30 =	sshrl.u32 s8, $0x3;
	[sflag:s19] =	ssyncadd.s32 $0xFFFFF800  }
0x85: {  	[hbm:s13], [sflag:s26] =	dma.local [spmem:s30], $0x800  }
0x86: {  	s25 =	sadd.s32 $0x1, s25;
	_ =	swait.ge [sflag:s19], $0x800  }
0x87: {  	p0 =	sne.s32 s25, s15;
	[sflag:s19] =	ssyncset.done $0x0  }
.Ltmp2:
0x88: {  	s31 =	sshrl.u32 s9, $0x3;
	[sflag:s19] =	ssyncadd.s32 $0xFFFFF800;
	(pc) =	sbr.rel @p0 .LBB2_1-.Ltmp2, $4  }
0x89: {  	[hbm:s14], [sflag:s26] =	dma.local [spmem:s31], $0x800  }
0x8a: {  	_ =	swait.ge [sflag:s19], $0x800  }
0x8b: {  	[sflag:s19] =	ssyncset.done $0x0  }
0x8c: {  	[sflag:s19] =	ssyncadd.s32 $0xFFFFF800  }
0x8d: {  	_ =	sfence.sel $0x180000  }
0x8e: {  	[bflag:$0x0] =	sbarrier.arrive $0xFFFF  }
0x8f: {  	p0 =	sne.s32 s3, $0x0;
	_ =	strace $0x9000004A  }
0x90: {  	s0 =	sadd.s32 @!p0 $0x100000, s0;
	[bflag:$0x2] =	sbarrier.arrive $0xFFFF  }
0x91: {  	[sflag:s0] =	ssyncadd.tile.s32 @!p0 $0x1;
	_ =	shalt  }
.Lfunc_end2:
_tile_overlayer_lowered:
.L_overlay_start_2:
0x92: {  	(tag) =	ssettag $0x2  }
0x93: {  	s0 =	rddreg [dreg:$0x0];
	s2 =	stileid.u32  }
0x94: {  	s1 =	rddreg [dreg:$0x1];
	p0 =	sne.s32 s2, $0x0  }
0x95: {  	s3 =	rddreg [dreg:$0x2];
	[bflag:$0x3] =	sbarrier.arrive $0xFFFF;
	s2 =	simm.s32 @!p0 $0x1C02  }
0x96: {  	[timem:s3], [sflag:s2] =	dma.local @!p0 [hbm:s0], s1  }
0x97: {  	s0 =	simm.s32 @!p0 $0x2  }
0x98: {  	_ =	swait.ge @!p0 [sflag:s0], s1  }
0x99: {  	s1 =	ssub.s32 @!p0 $0x0, s1;
	[sflag:s0] =	ssyncset.done @!p0 $0x0  }
0x9a: {  	[sflag:s0] =	ssyncadd.s32 @!p0 s1  }
0x9b: {  	[bflag:$0x3] =	sbarrier.arrive $0xFFFF  }
0x9c: {  	_ =	shalt  }

// kernel: kernel.14.cloned.1.call-start
scs
__scs_entry_jumppad:
0x0: {  	(pc) =	sbr.rel $0x88, $3  }
0x1: {  	(tag) =	ssettag $0x0;
	lr =	simm.s32 $0x1  }
0x2: {  	[smem:$0x3F9B] =	sst lr;
	_ =	strace $0xD0000000  }
0x3: {  	_ = 	snop  }
0x4: {  	_ = 	snop  }
0x5: {  	_ = 	snop  }
0x6: {  	_ = 	snop  }
0x7: {  	_ = 	snop  }
__scs_overlays_trampoline_lowered:
0x8: {  	[smem:$0x3FAA] =	sst s0  }
0x9: {  	[smem:$0x3FAB] =	sst s1  }
0xa: {  	[smem:$0x3FAC] =	sst s2  }
0xb: {  	[smem:$0x3FAD] =	sst s3  }
0xc: {  	[smem:$0x3FAE] =	sst s4  }
0xd: {  	[smem:$0x3FAF] =	sst s5  }
0xe: {  	[smem:$0x3FB0] =	sst s6  }
0xf: {  	[smem:$0x3FB1] =	sst s7  }
0x10: {  	[smem:$0x3FB2] =	sst s8  }
0x11: {  	[smem:$0x3FB3] =	sst s9;
	s0 =	simm.s32 @!p0 $0x0  }
0x12: {  	s1 =	sld [smem:$0x3F99];
	s0 =	simm.s32 @p0 $0x1  }
0x13: {  	[smem:$0x3FB4] =	sst s0;
	s0 =	simm.s32 @!p1 $0x0  }
0x14: {  	s2 =	sld [smem:$0x3F98];
	s0 =	simm.s32 @p1 $0x1  }
0x15: {  	[smem:$0x3FB5] =	sst s0;
	s0 =	simm.s32 @!p2 $0x0  }
0x16: {  	s3 =	sld [smem:$0x3FDB];
	s0 =	simm.s32 @p2 $0x1  }
0x17: {  	s4 =	simm.s32 $0x1BF5;
	[smem:$0x3FB7] =	sst s0  }
0x18: {  	s0 =	sld [smem:$0x3F9A];
	_ =	swait.ge [sflag:s4], $0x0  }
0x19: {  	s7 =	sld [smem:$0x3F9B]  }
0x1a: {  	s8 =	sadd.s32 $0xFFFFE003, lr  }
0x1b: {  	s9 =	sadd.s32 $0xFFFFFEF7, lr;
	s5 =	simm.s32 $0xFFFFFFFF;
	p2 =	slt.u32 s8, $0xFFFFF086  }
0x1c: {  	p1 =	slt.u32 s9, $0xF7A;
	s5 =	simm.s32 @!p2 $0x0  }
0x1d: {  	s5 =	simm.s32 @p1 $0x1;
	p0 =	seq.s32 s7, s2  }
0x1e: {  	s7 =	smul.u32 @!p0 $0xF7A, s2;
	p2 =	seq.s32 @!p0 s5, $0x0  }
0x1f: {  	s9 =	smul.u32 $0xF7A, s1;
	s8 =	simm.s32 @!p0 $0x1BF5;
	p2 =	por !p2, p0  }
0x20: {  	[sflag:s8] =	ssyncset.s32 @!p0 $0xFFFFF086;
	s6 =	sadd.s32 @!p0 s3, s7;
	s7 =	simm.s32 @!p0 $0x108  }
0x21: {  	s3 =	sadd.s32 s3, s9;
	s6 =	sadd.s32 @!p0 $0x88, s6;
	s7 =	simm.s32 @p2 $0x1082  }
0x22: {  	[simem:s7], [sflag:s8] =	dma.local @!p0 [hbm:s6], $0xF7A  }
0x23: {  	s9 =	sor.u32 $0xD0000000, s2;
	s6 =	simm.s32 $0x108;
	_ =	swait.ge @!p0 [sflag:s8], $0x0  }
0x24: {  	s3 =	sadd.s32 $0x88, s3;
	s6 =	simm.s32 @!p1 $0x1082;
	[sflag:s4] =	ssyncset.s32 $0xFFFFF086  }
0x25: {  	[simem:s6], [sflag:s4] =	dma.local [hbm:s3], $0xF7A  }
0x26: {  	[smem:$0x3F9B] =	sst s1;
	(tag) =	ssettag s2;
	_ =	strace s9  }
0x27: {  	s1 =	sld [smem:$0x3FAB]  }
0x28: {  	s2 =	sld [smem:$0x3FAC]  }
0x29: {  	s4 =	sld [smem:$0x3FAE]  }
0x2a: {  	p0 =	seq.s32 s5, $0x0;
	s5 =	sld [smem:$0x3FAF]  }
0x2b: {  	s6 =	sld [smem:$0x3FB0]  }
0x2c: {  	s7 =	sld [smem:$0x3FB1]  }
0x2d: {  	s3 =	simm.s32 $0x108;
	s8 =	sld [smem:$0x3FB2]  }
0x2e: {  	s3 =	simm.s32 @!p0 $0x1082;
	s9 =	sld [smem:$0x3FB3]  }
0x2f: {  	lr =	sadd.s32 s0, s3;
	s0 =	sld [smem:$0x3FAA]  }
0x30: {  	s3 =	sld [smem:$0x3FAD]  }
0x31: {  	[smem:$0x3FB6] =	sst s10  }
0x32: {  	s10 =	sld [smem:$0x3FB4];
	_ =	sdelay $0x3  }
0x33: {  	p0 =	seq.s32 s10, $0x1;
	s10 =	sld [smem:$0x3FB6];
	_ =	sdelay $0x3  }
0x34: {  	[smem:$0x3FB6] =	sst s10  }
0x35: {  	s10 =	sld [smem:$0x3FB5];
	_ =	sdelay $0x3  }
0x36: {  	p1 =	seq.s32 s10, $0x1;
	s10 =	sld [smem:$0x3FB6];
	_ =	sdelay $0x3  }
0x37: {  	[smem:$0x3FB6] =	sst s10  }
0x38: {  	s10 =	sld [smem:$0x3FB7]  }
0x39: {  	_ = 	snop;
	(pc) =	sbr.ind lr, $3  }
0x3a: {  	_ = 	snop  }
0x3b: {  	_ = 	snop  }
0x3c: {  	p2 =	seq.s32 s10, $0x1;
	s10 =	sld [smem:$0x3FB6]  }
0x3d: {  	_ =	shalt  }
0x3e: {  	_ =	shalt  }
0x3f: {  	_ =	shalt  }
0x40: {  	_ =	shalt  }
0x41: {  	_ =	shalt  }
0x42: {  	_ =	shalt  }
0x43: {  	_ =	shalt  }
0x44: {  	_ =	shalt  }
0x45: {  	_ =	shalt  }
0x46: {  	_ =	shalt  }
0x47: {  	_ =	shalt  }
0x48: {  	_ =	shalt  }
0x49: {  	_ =	shalt  }
0x4a: {  	_ =	shalt  }
0x4b: {  	_ =	shalt  }
0x4c: {  	_ =	shalt  }
0x4d: {  	_ =	shalt  }
0x4e: {  	_ =	shalt  }
0x4f: {  	_ =	shalt  }
0x50: {  	_ =	shalt  }
0x51: {  	_ =	shalt  }
0x52: {  	_ =	shalt  }
0x53: {  	_ =	shalt  }
0x54: {  	_ =	shalt  }
0x55: {  	_ =	shalt  }
0x56: {  	_ =	shalt  }
0x57: {  	_ =	shalt  }
0x58: {  	_ =	shalt  }
0x59: {  	_ =	shalt  }
0x5a: {  	_ =	shalt  }
0x5b: {  	_ =	shalt  }
0x5c: {  	_ =	shalt  }
0x5d: {  	_ =	shalt  }
0x5e: {  	_ =	shalt  }
0x5f: {  	_ =	shalt  }
0x60: {  	_ =	shalt  }
0x61: {  	_ =	shalt  }
0x62: {  	_ =	shalt  }
0x63: {  	_ =	shalt  }
0x64: {  	_ =	shalt  }
0x65: {  	_ =	shalt  }
0x66: {  	_ =	shalt  }
0x67: {  	_ =	shalt  }
0x68: {  	_ =	shalt  }
0x69: {  	_ =	shalt  }
0x6a: {  	_ =	shalt  }
0x6b: {  	_ =	shalt  }
0x6c: {  	_ =	shalt  }
0x6d: {  	_ =	shalt  }
0x6e: {  	_ =	shalt  }
0x6f: {  	_ =	shalt  }
0x70: {  	_ =	shalt  }
0x71: {  	_ =	shalt  }
0x72: {  	_ =	shalt  }
0x73: {  	_ =	shalt  }
0x74: {  	_ =	shalt  }
0x75: {  	_ =	shalt  }
0x76: {  	_ =	shalt  }
0x77: {  	_ =	shalt  }
0x78: {  	_ =	shalt  }
0x79: {  	_ =	shalt  }
0x7a: {  	_ =	shalt  }
0x7b: {  	_ =	shalt  }
0x7c: {  	_ =	shalt  }
0x7d: {  	_ =	shalt  }
0x7e: {  	_ =	shalt  }
0x7f: {  	_ =	shalt  }
0x80: {  	_ =	shalt  }
0x81: {  	_ =	shalt  }
0x82: {  	_ =	shalt  }
0x83: {  	_ =	shalt  }
0x84: {  	_ =	shalt  }
0x85: {  	_ =	shalt  }
0x86: {  	_ =	shalt  }
0x87: {  	_ =	shalt  }
.Lfunc_end0:
.L_simem_size_0:
called_computation.2_lowered:
.L_overlay_start_0:
0x88: {  	s2 =	sld [smem:$0x3FD9]  }
0x89: {  	s3 =	sld [smem:$0x3FFE];
	_ =	sdelay $0x1  }
0x8a: {  	s1 =	srdreg.scid  }
0x8b: {  	s0 =	sand.u32 $0x1, s1  }
0x8c: {  	s16 =	sshll.u32 s0, $0xA;
	s2 =	sadd.s32 s3, s2  }
0x8d: {  	s2 =	sadd.s32 s2, s16  }
0x8e: {  	[smem:$0x3FC2] =	sst s2  }
0x8f: {  	_ = 	snop  }
0x90: {  	(tm) =	ssettm $0x1  }
0x91: {  	s17 =	sld [smem:$0x3FFB];
	_ =	sdelay $0x3  }
0x92: {  	_ =	strace s17  }
0x93: {  	s2 =	sld [smem:$0x3FFC];
	_ =	sdelay $0x3  }
0x94: {  	_ =	strace s2  }
0x95: {  	s2 =	sld [smem:$0x3FFD];
	_ =	sdelay $0x3  }
0x96: {  	_ =	strace s2  }
0x97: {  	_ =	strace $0x8FFFFFFF  }
0x98: {  	s18 =	sld [smem:$0x3FDB];
	_ =	sdelay $0x1  }
0x99: {  	s19 =	simm.s32 $_scs_section_size  }
0x9a: {  	s4 =	simm.s32 $_size__tile_overlayer_lowered;
	s5 =	simm.s32 $_tile_overlayer_lowered  }
0x9b: {  	s22 =	simm.s32 $0x1BFF;
	s21 =	sshll.u32 s5, $0x1;
	s2 =	sadd.s32 s19, s18  }
0x9c: {  	s6 =	simm.s32 $0x0;
	s20 =	sshll.u32 s4, $0x1;
	s4 =	sadd.s32 s21, s2  }
0x9d: {  	[timem:s6], [sflag:s22] =	dma.local [hbm:s4], s20  }
0x9e: {  	_ =	swait.ge [sflag:s22], s20  }
0x9f: {  	s3 =	ssub.s32 $0x0, s20;
	[sflag:s22] =	ssyncset.done $0x0  }
0xa0: {  	[sflag:s22] =	ssyncadd.s32 s3;
	_ =	sdelay $0x1  }
0xa1: {  	s23 =	simm.s32 $0x1B8B  }
0xa2: {  	_ =	swait.ge [sflag:s23], $0x1  }
0xa3: {  	[sflag:s23] =	ssyncset.done $0x0  }
0xa4: {  	s25 =	simm.s32 $0x1B8E;
	s24 =	sld [smem:$0x3FFE];
	[sflag:s23] =	ssyncadd.s32 $0xFFFFFFFF  }
0xa5: {  	s26 =	simm.s32 $execute0_lowered;
	[smem:$0x3FD2] =	sst s25  }
0xa6: {  	s4 =	sshll.u32 s26, $0x1;
	_ =	strace $0x8000004C;
	[dreg:$0x1] =	wrdreg $0xFFFFFFFF  }
0xa7: {  	s28 =	simm.s32 $_size_execute0_lowered;
	s2 =	sadd.s32 s2, s4;
	[dreg:$0x0] =	wrdreg $0x0  }
0xa8: {  	s4 =	sshll.u32 s28, $0x1;
	[dreg:$0x2] =	wrdreg s2  }
0xa9: {  	[dreg:$0x3] =	wrdreg s4  }
0xaa: {  	[dreg:$0x4] =	wrdreg $0xC0  }
0xab: {  	_ =	task [dreg:s6], $0x5FFFF  }
0xac: {  	[dreg:$0x1] =	wrdreg $0xFFFFFFFF  }
0xad: {  	[dreg:$0x0] =	wrdreg $0x60  }
0xae: {  	[dreg:$0x2] =	wrdreg s24  }
0xaf: {  	[dreg:$0x3] =	wrdreg $0x0  }
0xb0: {  	[dreg:$0x4] =	wrdreg $0x9  }
0xb1: {  	_ =	task.clear_ibuf [dreg:s6], $0x5FFFF;
	_ =	strace $0x9000004C  }
0xb2: {  	s29 =	simm.s32 $0x9;
	_ =	strace $0x8000004E  }
0xb3: {  	_ =	swait.ge [sflag:s29], $0x1  }
0xb4: {  	[sflag:s29] =	ssyncadd.s32 $0xFFFFFFFF  }
0xb5: {  	_ =	strace $0x9000004E  }
0xb6: {  	_ =	sfence  }
0xb7: {  	s30 =	sld [smem:$0x0];
	_ =	sdelay $0x2  }
0xb8: {  	s31 =	sshll.u32 s1, $0xD;
	s1 =	sshrl.u32 s1, $0x2  }
0xb9: {  	s3 =	sand.u32 $0x4000, s31;
	s1 =	sadd.s32 s1, s30  }
0xba: {  	s0 =	sor.u32 s3, s0;
	s1 =	sshll.u32 s1, $0x11  }
0xbb: {  	s0 =	sor.u32 s1, s0  }
0xbc: {  	s0 =	sadd.s32 $0x8F2B, s0  }
0xbd: {  	[sflag:s0] =	ssyncadd.remote.s32 $0x1  }
0xbe: {  	_ =	sfence.sel $0xFFFF  }
0xbf: {  	[dreg:$0x0] =	wrdreg $0xFFFFFFFF;
	(pc) =	sbr.abs _section_cstart, $3  }
0xc0: {  	[dreg:$0x1] =	wrdreg $0xFFFFFFFF  }
0xc1: {  	_ =	task.clear_ibuf [dreg:s6], $0x2FFFF;
	_ =	strace $0x9FFFFFFF  }
0xc2: {  	(tm) =	ssettm $0x7FFFFFFF  }
0xc3: {  	_ =	shalt  }
tec
execute0_lowered:
.L_overlay_start_1:
0x0: {  	(tag) =	ssettag $0x1  }
0x1: {  	s5 =	rddreg [dreg:$0x0]  }
0x2: {  	s2 =	rddreg [dreg:$0x1]  }
0x3: {  	s0 =	rddreg [dreg:$0x2];
	s3 =	simm.s32 $0x0;
	s1 =	stileid.u32  }
0x4: {  	s4 =	srdreg.scid;
	s20 =	simm.s32 $0x18000;
	s21 =	simm.s32 $0x18080  }
0x5: {  	s22 =	simm.s32 $0x80;
	[smem:$0x7FF] =	sst s3;
	s6 =	smul.u32 $0x9E0, s1  }
0x6: {  	s7 =	sand.u32 $0x1, s4;
	s9 =	smul.u32 $0x280, s1;
	s4 =	sadd.s32 $0xBA00, s5  }
0x7: {  	s10 =	smul.u32 $0x50000, s1;
	s14 =	sadd.s32 $0x65800, s5;
	_ =	strace $0x8000004D  }
0x8: {  	s8 =	ssub.s32 $0x2, s7;
	s23 =	smul.u32 $0x2800, s7;
	s17 =	sadd.s32 s6, s5  }
0x9: {  	s24 =	sshrl.u32 s8, $0x1;
	s25 =	sshrl.u32 s10, $0x2;
	s26 =	sadd.s32 $0x80, s9  }
0xa: {  	s12 =	sadd.s32 $0x100, s9;
	s13 =	sadd.s32 $0x180, s9;
	s16 =	sadd.s32 $0x200, s9  }
0xb: {  	s15 =	ssub.s32 s8, s24;
	s5 =	sadd.s32 s25, s2;
	s28 =	sshll.u32 s26, $0x7  }
0xc: {  	s29 =	sshll.u32 s12, $0x7;
	s30 =	sshll.u32 s13, $0x7;
	s9 =	sadd.s32 s9, s23  }
0xd: {  	s11 =	sshll.u32 s16, $0x7;
	s19 =	sadd.s32 s23, s26;
	s12 =	sadd.s32 s23, s12  }
0xe: {  	s13 =	sadd.s32 s23, s13;
	s16 =	sadd.s32 s23, s16;
	v0 =	vmov s23;
	s23 =	simm.s32 $0x18100  }
0xf: {  	s24 =	simm.s32 $0x1;
	s25 =	simm.s32 $0x0;
	s6 =	sadd.s32 s28, s2  }
0x10: {  	s7 =	sadd.s32 s29, s2;
	s8 =	sadd.s32 s30, s2;
	s18 =	sshll.u32 s9, $0x4  }
0x11: {  	s9 =	sadd.s32 s11, s2;
	s31 =	sshll.u32 s19, $0x4;
	s12 =	sshll.u32 s12, $0x4  }
0x12: {  	s13 =	sshll.u32 s13, $0x4;
	s16 =	sshll.u32 s16, $0x4;
	s15 =	smax.u32 s15, $0x1  }
0x13: {  	s19 =	simm.s32 $0x2;
	s10 =	sadd.s32 s14, s18;
	s11 =	sadd.s32 s14, s31  }
0x14: {  	s12 =	sadd.s32 s14, s12;
	s13 =	sadd.s32 s14, s13;
	s14 =	sadd.s32 s14, s16  }
0x15: {  	v1 =	vimm.f32 $0.0e+00;
	s16 =	sadd.s32 $0x1C00, s17;
	s17 =	sadd.s32 $0x5BA00, s17;
	s18 =	simm.s32 $0x14000  }
.LBB2_1:
0x16: {  	s26 =	simm.s32 $0x0;
	s28 =	simm.s32 $0x200  }
.LBB2_2:
0x17: {  	p0 =	sne.s32 s28, $0xFE00;
	[tilespmem:s26+$0x14070] =	vst v1  }
0x18: {  	[tilespmem:s26+$0x14000] =	vst v1  }
0x19: {  	[tilespmem:s26+$0x14010] =	vst v1  }
.Ltmp0:
0x1a: {  	[tilespmem:s26+$0x14020] =	vst v1;
	(pc) =	sbr.rel @p0 .LBB2_2-.Ltmp0, $4  }
0x1b: {  	[tilespmem:s26+$0x14030] =	vst v1  }
0x1c: {  	[tilespmem:s26+$0x14040] =	vst v1  }
0x1d: {  	[tilespmem:s26+$0x14050] =	vst v1  }
0x1e: {  	[tilespmem:s26+$0x14060] =	vst v1;
	s26 =	sshra.s32 s28, $0x2;
	s28 =	sadd.s32 $0x200, s28  }
0x1f: {  	[tilespmem:s26+$0x14070] =	vst v1  }
0x20: {  	[tilespmem:s26+$0x14000] =	vst v1  }
0x21: {  	[tilespmem:s26+$0x14010] =	vst v1  }
0x22: {  	[tilespmem:s26+$0x14020] =	vst v1  }
0x23: {  	[tilespmem:s26+$0x14030] =	vst v1  }
0x24: {  	[tilespmem:s26+$0x14040] =	vst v1  }
0x25: {  	[tilespmem:s26+$0x14050] =	vst v1  }
0x26: {  	[tilespmem:s26+$0x14060] =	vst v1  }
0x27: {  	[spmem:s5] =	stream.linear.scatter [tilespmem:s18], [sflag:$0x2], $0x4000, $0x38;
	[tilespmem:$0x18180] =	vst v63  }
0x28: {  	_ =	swait.ge [sflag:s19], $0x4000  }
0x29: {  	[sflag:s19] =	ssyncset.done $0x0  }
0x2a: {  	[sflag:s19] =	ssyncadd.s32 $0xFFFFC000  }
0x2b: {  	[spmem:s6] =	stream.linear.scatter [tilespmem:s18], [sflag:$0x2], $0x4000, $0x38;
	[tilespmem:$0x18180] =	vst v63  }
0x2c: {  	_ =	swait.ge [sflag:s19], $0x4000  }
0x2d: {  	[sflag:s19] =	ssyncset.done $0x0  }
0x2e: {  	[sflag:s19] =	ssyncadd.s32 $0xFFFFC000  }
0x2f: {  	[spmem:s7] =	stream.linear.scatter [tilespmem:s18], [sflag:$0x2], $0x4000, $0x38;
	[tilespmem:$0x18180] =	vst v63  }
0x30: {  	_ =	swait.ge [sflag:s19], $0x4000  }
0x31: {  	[sflag:s19] =	ssyncset.done $0x0  }
0x32: {  	[sflag:s19] =	ssyncadd.s32 $0xFFFFC000  }
0x33: {  	[spmem:s8] =	stream.linear.scatter [tilespmem:s18], [sflag:$0x2], $0x4000, $0x38;
	[tilespmem:$0x18180] =	vst v63  }
0x34: {  	_ =	swait.ge [sflag:s19], $0x4000  }
0x35: {  	[sflag:s19] =	ssyncset.done $0x0  }
0x36: {  	[sflag:s19] =	ssyncadd.s32 $0xFFFFC000  }
0x37: {  	[spmem:s9] =	stream.linear.scatter [tilespmem:s18], [sflag:$0x2], $0x4000, $0x38;
	[tilespmem:$0x18180] =	vst v63  }
0x38: {  	_ =	swait.ge [sflag:s19], $0x4000  }
0x39: {  	[sflag:s19] =	ssyncset.done $0x0  }
0x3a: {  	[sflag:s19] =	ssyncadd.s32 $0xFFFFC000  }
0x3b: {  	s30 =	sadd.s32 $0x0, s17;
	[bflag:$0x0] =	sbarrier.arrive $0xFFFF  }
0x3c: {  	[tilespmem:s20], [sflag:$0x2] =	stream.linear.gather [hbm4b:s30+s3], $0x80, $0x38;
	[tilespmem:$0x18180] =	vst v63  }
0x3d: {  	_ =	swait.ge [sflag:s19], $0x80  }
0x3e: {  	[sflag:s19] =	ssyncset.done $0x0  }
0x3f: {  	s31 =	sadd.s32 $0x0, s16;
	[sflag:s19] =	ssyncadd.s32 $0xFFFFFF80  }
0x40: {  	[tilespmem:s21], [sflag:$0x2] =	stream.linear.gather [hbm4b:s31+s3], $0x80, $0x38;
	[tilespmem:$0x18180] =	vst v63  }
0x41: {  	_ =	swait.ge [sflag:s19], $0x80  }
0x42: {  	[sflag:s19] =	ssyncset.done $0x0  }
0x43: {  	[sflag:s19] =	ssyncadd.s32 $0xFFFFFF80  }
0x44: {  	v2 =	vld [tilespmem:$0x18070]  }
0x45: {  	v3 =	vld [tilespmem:$0x18030]  }
0x46: {  	v6 =	vld [tilespmem:$0x18020]  }
0x47: {  	v4 =	vld [tilespmem:$0x18050]  }
0x48: {  	v5 =	vld [tilespmem:$0x18060]  }
0x49: {  	v7 =	vld [tilespmem:$0x18010];
	v2 =	vadd.s32 v0, v2  }
0x4a: {  	v8 =	vld [tilespmem:$0x18040];
	v3 =	vadd.s32 v0, v3;
	[tilespmem:$0x18170] =	vst v2  }
0x4b: {  	v63 =	vadd.s32 v0, v6;
	v2 =	vld [tilespmem:$0x18000];
	[tilespmem:$0x18130] =	vst v3  }
0x4c: {  	v3 =	vadd.s32 v0, v4;
	[tilespmem:$0x18120] =	vst v63  }
0x4d: {  	[tilespmem:$0x18150] =	vst v3;
	v3 =	vadd.s32 v0, v5  }
0x4e: {  	[tilespmem:$0x18160] =	vst v3;
	v3 =	vadd.s32 v0, v7  }
0x4f: {  	[tilespmem:$0x18110] =	vst v3;
	v3 =	vadd.s32 v0, v8  }
0x50: {  	[tilespmem:$0x18140] =	vst v3;
	v2 =	vadd.s32 v0, v2  }
0x51: {  	s26 =	simm.s32 $0x10;
	[tilespmem:$0x18100] =	vst v2  }
.LBB2_4:
0x52: {  	[tilespmem:s18], [sflag:$0x1] =	stream.indirect.gather [hbm4b:s4+s22], $0x80, s23, s22, $0xb8;
	[tilespmem:$0x18180] =	vst v63  }
0x53: {  	s28 =	smov.u32 s26  }
0x54: {  	p0 =	sne.s32 s26, $0x9D0;
	s26 =	sadd.s32 $0x10, s26;
	_ =	swait.ge [sflag:s24], $0x4000  }
0x55: {  	[sflag:s24] =	ssyncset.done $0x0  }
0x56: {  	[sflag:s24] =	ssyncadd.s32 $0xFFFFC000  }
0x57: {  	[spmem:s2] =	stream.indirect.scatter.add.f32 [tilespmem:s18], [sflag:$0x2], $0x80, s21, s22, $0xb8;
	[tilespmem:$0x18180] =	vst v63  }
0x58: {  	_ =	swait.ge [sflag:s19], $0x4000  }
0x59: {  	[sflag:s19] =	ssyncset.done $0x0  }
0x5a: {  	s29 =	sadd.s32 s28, s17;
	[sflag:s19] =	ssyncadd.s32 $0xFFFFC000  }
0x5b: {  	[tilespmem:s20], [sflag:$0x2] =	stream.linear.gather [hbm4b:s29+s3], $0x80, $0x38;
	[tilespmem:$0x18180] =	vst v63  }
0x5c: {  	_ =	swait.ge [sflag:s19], $0x80  }
0x5d: {  	[sflag:s19] =	ssyncset.done $0x0  }
0x5e: {  	s28 =	sadd.s32 s28, s16;
	[sflag:s19] =	ssyncadd.s32 $0xFFFFFF80  }
0x5f: {  	[tilespmem:s21], [sflag:$0x2] =	stream.linear.gather [hbm4b:s28+s3], $0x80, $0x38;
	[tilespmem:$0x18180] =	vst v63  }
0x60: {  	_ =	swait.ge [sflag:s19], $0x80  }
0x61: {  	[sflag:s19] =	ssyncset.done $0x0  }
0x62: {  	[sflag:s19] =	ssyncadd.s32 $0xFFFFFF80  }
0x63: {  	v2 =	vld [tilespmem:$0x18070]  }
0x64: {  	v3 =	vld [tilespmem:$0x18030]  }
0x65: {  	v4 =	vld [tilespmem:$0x18050]  }
0x66: {  	v5 =	vld [tilespmem:$0x18060]  }
0x67: {  	v6 =	vld [tilespmem:$0x18020]  }
0x68: {  	v7 =	vld [tilespmem:$0x18010];
	v2 =	vadd.s32 v0, v2  }
0x69: {  	v3 =	vadd.s32 v0, v3;
	v8 =	vld [tilespmem:$0x18040];
	[tilespmem:$0x18170] =	vst v2  }
0x6a: {  	v2 =	vld [tilespmem:$0x18000];
	[tilespmem:$0x18130] =	vst v3;
	v3 =	vadd.s32 v0, v4  }
0x6b: {  	[tilespmem:$0x18150] =	vst v3;
	v3 =	vadd.s32 v0, v5  }
.Ltmp1:
0x6c: {  	v4 =	vadd.s32 v0, v6;
	[tilespmem:$0x18160] =	vst v3;
	(pc) =	sbr.rel @p0 .LBB2_4-.Ltmp1, $4  }
0x6d: {  	v3 =	vadd.s32 v0, v7;
	[tilespmem:$0x18120] =	vst v4  }
0x6e: {  	[tilespmem:$0x18110] =	vst v3;
	v3 =	vadd.s32 v0, v8  }
0x6f: {  	v2 =	vadd.s32 v0, v2;
	[tilespmem:$0x18140] =	vst v3  }
0x70: {  	[tilespmem:$0x18100] =	vst v2  }
0x71: {  	[tilespmem:s18], [sflag:$0x1] =	stream.indirect.gather [hbm4b:s4+s22], $0x80, s23, s22, $0xb8;
	[tilespmem:$0x18180] =	vst v63  }
0x72: {  	_ =	swait.ge [sflag:s24], $0x4000  }
0x73: {  	[sflag:s24] =	ssyncset.done $0x0  }
0x74: {  	[sflag:s24] =	ssyncadd.s32 $0xFFFFC000  }
0x75: {  	[spmem:s2] =	stream.indirect.scatter.add.f32 [tilespmem:s18], [sflag:$0x2], $0x80, s21, s22, $0xb8;
	[tilespmem:$0x18180] =	vst v63  }
0x76: {  	_ =	swait.ge [sflag:s19], $0x4000  }
0x77: {  	[sflag:s19] =	ssyncset.done $0x0  }
0x78: {  	s26 =	sshll.u32 s1, $0x6;
	[sflag:s19] =	ssyncadd.s32 $0xFFFFC000  }
0x79: {  	s28 =	sshrl.u32 s5, $0x3;
	s26 =	sor.u32 $0x1C02, s26;
	[bflag:$0x0] =	sbarrier.arrive $0xFFFF  }
0x7a: {  	[hbm:s10], [sflag:s26] =	dma.local [spmem:s28], $0x800  }
0x7b: {  	_ =	swait.ge [sflag:s19], $0x800  }
0x7c: {  	[sflag:s19] =	ssyncset.done $0x0  }
0x7d: {  	s31 =	sshrl.u32 s6, $0x3;
	[sflag:s19] =	ssyncadd.s32 $0xFFFFF800  }
0x7e: {  	[hbm:s11], [sflag:s26] =	dma.local [spmem:s31], $0x800  }
0x7f: {  	_ =	swait.ge [sflag:s19], $0x800  }
0x80: {  	[sflag:s19] =	ssyncset.done $0x0  }
0x81: {  	s29 =	sshrl.u32 s7, $0x3;
	[sflag:s19] =	ssyncadd.s32 $0xFFFFF800  }
0x82: {  	[hbm:s12], [sflag:s26] =	dma.local [spmem:s29], $0x800  }
0x83: {  	_ =	swait.ge [sflag:s19], $0x800  }
0x84: {  	[sflag:s19] =	ssyncset.done $0x0  }
0x85: {  	s30 =	sshrl.u32 s8, $0x3;
	[sflag:s19] =	ssyncadd.s32 $0xFFFFF800  }
0x86: {  	[hbm:s13], [sflag:s26] =	dma.local [spmem:s30], $0x800  }
0x87: {  	s25 =	sadd.s32 $0x1, s25;
	_ =	swait.ge [sflag:s19], $0x800  }
0x88: {  	p0 =	sne.s32 s25, s15;
	[sflag:s19] =	ssyncset.done $0x0  }
.Ltmp2:
0x89: {  	s31 =	sshrl.u32 s9, $0x3;
	[sflag:s19] =	ssyncadd.s32 $0xFFFFF800;
	(pc) =	sbr.rel @p0 .LBB2_1-.Ltmp2, $4  }
0x8a: {  	[hbm:s14], [sflag:s26] =	dma.local [spmem:s31], $0x800  }
0x8b: {  	_ =	swait.ge [sflag:s19], $0x800  }
0x8c: {  	[sflag:s19] =	ssyncset.done $0x0  }
0x8d: {  	[sflag:s19] =	ssyncadd.s32 $0xFFFFF800  }
0x8e: {  	_ =	sfence.sel $0x180000  }
0x8f: {  	[bflag:$0x0] =	sbarrier.arrive $0xFFFF  }
0x90: {  	p0 =	sne.s32 s1, $0x0;
	_ =	strace $0x9000004D  }
0x91: {  	s0 =	sadd.s32 @!p0 $0x100000, s0;
	[bflag:$0x2] =	sbarrier.arrive $0xFFFF  }
0x92: {  	[sflag:s0] =	ssyncadd.tile.s32 @!p0 $0x1;
	_ =	shalt  }
.Lfunc_end2:
_tile_overlayer_lowered:
.L_overlay_start_2:
0x93: {  	(tag) =	ssettag $0x2  }
0x94: {  	s0 =	rddreg [dreg:$0x0];
	s2 =	stileid.u32  }
0x95: {  	s1 =	rddreg [dreg:$0x1];
	p0 =	sne.s32 s2, $0x0  }
0x96: {  	s3 =	rddreg [dreg:$0x2];
	[bflag:$0x3] =	sbarrier.arrive $0xFFFF;
	s2 =	simm.s32 @!p0 $0x1C02  }
0x97: {  	[timem:s3], [sflag:s2] =	dma.local @!p0 [hbm:s0], s1  }
0x98: {  	s0 =	simm.s32 @!p0 $0x2  }
0x99: {  	_ =	swait.ge @!p0 [sflag:s0], s1  }
0x9a: {  	s1 =	ssub.s32 @!p0 $0x0, s1;
	[sflag:s0] =	ssyncset.done @!p0 $0x0  }
0x9b: {  	[sflag:s0] =	ssyncadd.s32 @!p0 s1  }
0x9c: {  	[bflag:$0x3] =	sbarrier.arrive $0xFFFF  }
0x9d: {  	_ =	shalt  }

// kernel: kernel.8.cloned.1.call-start
scs
__scs_entry_jumppad:
0x0: {  	(pc) =	sbr.rel $0x88, $3  }
0x1: {  	(tag) =	ssettag $0x0;
	lr =	simm.s32 $0x1  }
0x2: {  	[smem:$0x3F9B] =	sst lr;
	_ =	strace $0xD0000000  }
0x3: {  	_ = 	snop  }
0x4: {  	_ = 	snop  }
0x5: {  	_ = 	snop  }
0x6: {  	_ = 	snop  }
0x7: {  	_ = 	snop  }
__scs_overlays_trampoline_lowered:
0x8: {  	[smem:$0x3FAA] =	sst s0  }
0x9: {  	[smem:$0x3FAB] =	sst s1  }
0xa: {  	[smem:$0x3FAC] =	sst s2  }
0xb: {  	[smem:$0x3FAD] =	sst s3  }
0xc: {  	[smem:$0x3FAE] =	sst s4  }
0xd: {  	[smem:$0x3FAF] =	sst s5  }
0xe: {  	[smem:$0x3FB0] =	sst s6  }
0xf: {  	[smem:$0x3FB1] =	sst s7  }
0x10: {  	[smem:$0x3FB2] =	sst s8  }
0x11: {  	[smem:$0x3FB3] =	sst s9;
	s0 =	simm.s32 @!p0 $0x0  }
0x12: {  	s1 =	sld [smem:$0x3F99];
	s0 =	simm.s32 @p0 $0x1  }
0x13: {  	[smem:$0x3FB4] =	sst s0;
	s0 =	simm.s32 @!p1 $0x0  }
0x14: {  	s2 =	sld [smem:$0x3F98];
	s0 =	simm.s32 @p1 $0x1  }
0x15: {  	[smem:$0x3FB5] =	sst s0;
	s0 =	simm.s32 @!p2 $0x0  }
0x16: {  	s3 =	sld [smem:$0x3FDB];
	s0 =	simm.s32 @p2 $0x1  }
0x17: {  	s4 =	simm.s32 $0x1BF5;
	[smem:$0x3FB7] =	sst s0  }
0x18: {  	s0 =	sld [smem:$0x3F9A];
	_ =	swait.ge [sflag:s4], $0x0  }
0x19: {  	s7 =	sld [smem:$0x3F9B]  }
0x1a: {  	s8 =	sadd.s32 $0xFFFFE003, lr  }
0x1b: {  	s9 =	sadd.s32 $0xFFFFFEF7, lr;
	s5 =	simm.s32 $0xFFFFFFFF;
	p2 =	slt.u32 s8, $0xFFFFF086  }
0x1c: {  	p1 =	slt.u32 s9, $0xF7A;
	s5 =	simm.s32 @!p2 $0x0  }
0x1d: {  	s5 =	simm.s32 @p1 $0x1;
	p0 =	seq.s32 s7, s2  }
0x1e: {  	s7 =	smul.u32 @!p0 $0xF7A, s2;
	p2 =	seq.s32 @!p0 s5, $0x0  }
0x1f: {  	s9 =	smul.u32 $0xF7A, s1;
	s8 =	simm.s32 @!p0 $0x1BF5;
	p2 =	por !p2, p0  }
0x20: {  	[sflag:s8] =	ssyncset.s32 @!p0 $0xFFFFF086;
	s6 =	sadd.s32 @!p0 s3, s7;
	s7 =	simm.s32 @!p0 $0x108  }
0x21: {  	s3 =	sadd.s32 s3, s9;
	s6 =	sadd.s32 @!p0 $0x88, s6;
	s7 =	simm.s32 @p2 $0x1082  }
0x22: {  	[simem:s7], [sflag:s8] =	dma.local @!p0 [hbm:s6], $0xF7A  }
0x23: {  	s9 =	sor.u32 $0xD0000000, s2;
	s6 =	simm.s32 $0x108;
	_ =	swait.ge @!p0 [sflag:s8], $0x0  }
0x24: {  	s3 =	sadd.s32 $0x88, s3;
	s6 =	simm.s32 @!p1 $0x1082;
	[sflag:s4] =	ssyncset.s32 $0xFFFFF086  }
0x25: {  	[simem:s6], [sflag:s4] =	dma.local [hbm:s3], $0xF7A  }
0x26: {  	[smem:$0x3F9B] =	sst s1;
	(tag) =	ssettag s2;
	_ =	strace s9  }
0x27: {  	s1 =	sld [smem:$0x3FAB]  }
0x28: {  	s2 =	sld [smem:$0x3FAC]  }
0x29: {  	s4 =	sld [smem:$0x3FAE]  }
0x2a: {  	p0 =	seq.s32 s5, $0x0;
	s5 =	sld [smem:$0x3FAF]  }
0x2b: {  	s6 =	sld [smem:$0x3FB0]  }
0x2c: {  	s7 =	sld [smem:$0x3FB1]  }
0x2d: {  	s3 =	simm.s32 $0x108;
	s8 =	sld [smem:$0x3FB2]  }
0x2e: {  	s3 =	simm.s32 @!p0 $0x1082;
	s9 =	sld [smem:$0x3FB3]  }
0x2f: {  	lr =	sadd.s32 s0, s3;
	s0 =	sld [smem:$0x3FAA]  }
0x30: {  	s3 =	sld [smem:$0x3FAD]  }
0x31: {  	[smem:$0x3FB6] =	sst s10  }
0x32: {  	s10 =	sld [smem:$0x3FB4];
	_ =	sdelay $0x3  }
0x33: {  	p0 =	seq.s32 s10, $0x1;
	s10 =	sld [smem:$0x3FB6];
	_ =	sdelay $0x3  }
0x34: {  	[smem:$0x3FB6] =	sst s10  }
0x35: {  	s10 =	sld [smem:$0x3FB5];
	_ =	sdelay $0x3  }
0x36: {  	p1 =	seq.s32 s10, $0x1;
	s10 =	sld [smem:$0x3FB6];
	_ =	sdelay $0x3  }
0x37: {  	[smem:$0x3FB6] =	sst s10  }
0x38: {  	s10 =	sld [smem:$0x3FB7]  }
0x39: {  	_ = 	snop;
	(pc) =	sbr.ind lr, $3  }
0x3a: {  	_ = 	snop  }
0x3b: {  	_ = 	snop  }
0x3c: {  	p2 =	seq.s32 s10, $0x1;
	s10 =	sld [smem:$0x3FB6]  }
0x3d: {  	_ =	shalt  }
0x3e: {  	_ =	shalt  }
0x3f: {  	_ =	shalt  }
0x40: {  	_ =	shalt  }
0x41: {  	_ =	shalt  }
0x42: {  	_ =	shalt  }
0x43: {  	_ =	shalt  }
0x44: {  	_ =	shalt  }
0x45: {  	_ =	shalt  }
0x46: {  	_ =	shalt  }
0x47: {  	_ =	shalt  }
0x48: {  	_ =	shalt  }
0x49: {  	_ =	shalt  }
0x4a: {  	_ =	shalt  }
0x4b: {  	_ =	shalt  }
0x4c: {  	_ =	shalt  }
0x4d: {  	_ =	shalt  }
0x4e: {  	_ =	shalt  }
0x4f: {  	_ =	shalt  }
0x50: {  	_ =	shalt  }
0x51: {  	_ =	shalt  }
0x52: {  	_ =	shalt  }
0x53: {  	_ =	shalt  }
0x54: {  	_ =	shalt  }
0x55: {  	_ =	shalt  }
0x56: {  	_ =	shalt  }
0x57: {  	_ =	shalt  }
0x58: {  	_ =	shalt  }
0x59: {  	_ =	shalt  }
0x5a: {  	_ =	shalt  }
0x5b: {  	_ =	shalt  }
0x5c: {  	_ =	shalt  }
0x5d: {  	_ =	shalt  }
0x5e: {  	_ =	shalt  }
0x5f: {  	_ =	shalt  }
0x60: {  	_ =	shalt  }
0x61: {  	_ =	shalt  }
0x62: {  	_ =	shalt  }
0x63: {  	_ =	shalt  }
0x64: {  	_ =	shalt  }
0x65: {  	_ =	shalt  }
0x66: {  	_ =	shalt  }
0x67: {  	_ =	shalt  }
0x68: {  	_ =	shalt  }
0x69: {  	_ =	shalt  }
0x6a: {  	_ =	shalt  }
0x6b: {  	_ =	shalt  }
0x6c: {  	_ =	shalt  }
0x6d: {  	_ =	shalt  }
0x6e: {  	_ =	shalt  }
0x6f: {  	_ =	shalt  }
0x70: {  	_ =	shalt  }
0x71: {  	_ =	shalt  }
0x72: {  	_ =	shalt  }
0x73: {  	_ =	shalt  }
0x74: {  	_ =	shalt  }
0x75: {  	_ =	shalt  }
0x76: {  	_ =	shalt  }
0x77: {  	_ =	shalt  }
0x78: {  	_ =	shalt  }
0x79: {  	_ =	shalt  }
0x7a: {  	_ =	shalt  }
0x7b: {  	_ =	shalt  }
0x7c: {  	_ =	shalt  }
0x7d: {  	_ =	shalt  }
0x7e: {  	_ =	shalt  }
0x7f: {  	_ =	shalt  }
0x80: {  	_ =	shalt  }
0x81: {  	_ =	shalt  }
0x82: {  	_ =	shalt  }
0x83: {  	_ =	shalt  }
0x84: {  	_ =	shalt  }
0x85: {  	_ =	shalt  }
0x86: {  	_ =	shalt  }
0x87: {  	_ =	shalt  }
.Lfunc_end0:
.L_simem_size_0:
called_computation_lowered:
.L_overlay_start_0:
0x88: {  	s2 =	sld [smem:$0x3FD9]  }
0x89: {  	s3 =	sld [smem:$0x3FFE];
	_ =	sdelay $0x1  }
0x8a: {  	s1 =	srdreg.scid  }
0x8b: {  	s0 =	sand.u32 $0x1, s1  }
0x8c: {  	s16 =	sshll.u32 s0, $0xA;
	s2 =	sadd.s32 s3, s2  }
0x8d: {  	s2 =	sadd.s32 s2, s16  }
0x8e: {  	[smem:$0x3FC2] =	sst s2  }
0x8f: {  	_ = 	snop  }
0x90: {  	(tm) =	ssettm $0x1  }
0x91: {  	s17 =	sld [smem:$0x3FFB];
	_ =	sdelay $0x3  }
0x92: {  	_ =	strace s17  }
0x93: {  	s2 =	sld [smem:$0x3FFC];
	_ =	sdelay $0x3  }
0x94: {  	_ =	strace s2  }
0x95: {  	s2 =	sld [smem:$0x3FFD];
	_ =	sdelay $0x3  }
0x96: {  	_ =	strace s2  }
0x97: {  	_ =	strace $0x8FFFFFFF  }
0x98: {  	s18 =	sld [smem:$0x3FDB];
	_ =	sdelay $0x1  }
0x99: {  	s19 =	simm.s32 $_scs_section_size  }
0x9a: {  	s4 =	simm.s32 $_size__tile_overlayer_lowered;
	s5 =	simm.s32 $_tile_overlayer_lowered  }
0x9b: {  	s22 =	simm.s32 $0x1BFF;
	s21 =	sshll.u32 s5, $0x1;
	s2 =	sadd.s32 s19, s18  }
0x9c: {  	s6 =	simm.s32 $0x0;
	s20 =	sshll.u32 s4, $0x1;
	s4 =	sadd.s32 s21, s2  }
0x9d: {  	[timem:s6], [sflag:s22] =	dma.local [hbm:s4], s20  }
0x9e: {  	_ =	swait.ge [sflag:s22], s20  }
0x9f: {  	s3 =	ssub.s32 $0x0, s20;
	[sflag:s22] =	ssyncset.done $0x0  }
0xa0: {  	[sflag:s22] =	ssyncadd.s32 s3;
	_ =	sdelay $0x1  }
0xa1: {  	s23 =	simm.s32 $0x1B8B  }
0xa2: {  	_ =	swait.ge [sflag:s23], $0x1  }
0xa3: {  	[sflag:s23] =	ssyncset.done $0x0  }
0xa4: {  	s25 =	simm.s32 $0x1B8E;
	s24 =	sld [smem:$0x3FFE];
	[sflag:s23] =	ssyncadd.s32 $0xFFFFFFFF  }
0xa5: {  	s26 =	simm.s32 $execute0_lowered;
	[smem:$0x3FD2] =	sst s25  }
0xa6: {  	s4 =	sshll.u32 s26, $0x1;
	_ =	strace $0x80000046;
	[dreg:$0x1] =	wrdreg $0xFFFFFFFF  }
0xa7: {  	s28 =	simm.s32 $_size_execute0_lowered;
	s2 =	sadd.s32 s2, s4;
	[dreg:$0x0] =	wrdreg $0x0  }
0xa8: {  	s4 =	sshll.u32 s28, $0x1;
	[dreg:$0x2] =	wrdreg s2  }
0xa9: {  	[dreg:$0x3] =	wrdreg s4  }
0xaa: {  	[dreg:$0x4] =	wrdreg $0xC0  }
0xab: {  	_ =	task [dreg:s6], $0x5FFFF  }
0xac: {  	[dreg:$0x1] =	wrdreg $0xFFFFFFFF  }
0xad: {  	[dreg:$0x0] =	wrdreg $0x60  }
0xae: {  	[dreg:$0x2] =	wrdreg s24  }
0xaf: {  	[dreg:$0x3] =	wrdreg $0x0  }
0xb0: {  	[dreg:$0x4] =	wrdreg $0x9  }
0xb1: {  	_ =	task.clear_ibuf [dreg:s6], $0x5FFFF;
	_ =	strace $0x90000046  }
0xb2: {  	s29 =	simm.s32 $0x9;
	_ =	strace $0x80000048  }
0xb3: {  	_ =	swait.ge [sflag:s29], $0x1  }
0xb4: {  	[sflag:s29] =	ssyncadd.s32 $0xFFFFFFFF  }
0xb5: {  	_ =	strace $0x90000048  }
0xb6: {  	_ =	sfence  }
0xb7: {  	s30 =	sld [smem:$0x0];
	_ =	sdelay $0x2  }
0xb8: {  	s31 =	sshll.u32 s1, $0xD;
	s1 =	sshrl.u32 s1, $0x2  }
0xb9: {  	s3 =	sand.u32 $0x4000, s31;
	s1 =	sadd.s32 s1, s30  }
0xba: {  	s0 =	sor.u32 s3, s0;
	s1 =	sshll.u32 s1, $0x11  }
0xbb: {  	s0 =	sor.u32 s1, s0  }
0xbc: {  	s0 =	sadd.s32 $0x8F2B, s0  }
0xbd: {  	[sflag:s0] =	ssyncadd.remote.s32 $0x1  }
0xbe: {  	_ =	sfence.sel $0xFFFF  }
0xbf: {  	[dreg:$0x0] =	wrdreg $0xFFFFFFFF;
	(pc) =	sbr.abs _section_cstart, $3  }
0xc0: {  	[dreg:$0x1] =	wrdreg $0xFFFFFFFF  }
0xc1: {  	_ =	task.clear_ibuf [dreg:s6], $0x2FFFF;
	_ =	strace $0x9FFFFFFF  }
0xc2: {  	(tm) =	ssettm $0x7FFFFFFF  }
0xc3: {  	_ =	shalt  }
tec
execute0_lowered:
.L_overlay_start_1:
0x0: {  	(tag) =	ssettag $0x1  }
0x1: {  	s4 =	rddreg [dreg:$0x0]  }
0x2: {  	s1 =	rddreg [dreg:$0x1];
	s3 =	srdreg.scid  }
0x3: {  	s0 =	rddreg [dreg:$0x2];
	s6 =	sand.u32 $0x1, s3  }
0x4: {  	s2 =	simm.s32 $0x0;
	s3 =	stileid.u32;
	s5 =	smul.u32 $0x4F00, s6  }
0x5: {  	[smem:$0x7FF] =	sst s2;
	s13 =	sadd.s32 $0xBA00, s4;
	s8 =	smul.u32 $0x280, s3  }
0x6: {  	_ =	strace $0x80000047;
	s19 =	ssub.s32 $0x2, s6;
	s7 =	smul.u32 $0x50000, s3  }
0x7: {  	s12 =	smul.u32 $0x2800, s6;
	s20 =	sshrl.u32 s19, $0x1;
	s15 =	sadd.s32 s5, s4  }
0x8: {  	s9 =	sadd.s32 $0x80, s8;
	s14 =	ssub.s32 s19, s20;
	s21 =	sshrl.u32 s7, $0x2  }
0x9: {  	s10 =	sadd.s32 $0x100, s8;
	s11 =	sadd.s32 $0x180, s8;
	s16 =	sadd.s32 $0x200, s8  }
0xa: {  	s18 =	sadd.s32 s8, s12;
	s19 =	smul.u32 $0x4F0, s3;
	s20 =	simm.s32 $0x0  }
0xb: {  	s22 =	sshll.u32 s9, $0x7;
	s4 =	sadd.s32 s21, s1;
	s23 =	sshll.u32 s10, $0x7  }
0xc: {  	s24 =	sshll.u32 s11, $0x7;
	s17 =	sshll.u32 s16, $0x7;
	s25 =	sshll.u32 s18, $0x4  }
0xd: {  	s26 =	sadd.s32 s12, s9;
	s29 =	sadd.s32 s12, s10;
	s11 =	sadd.s32 s12, s11  }
0xe: {  	s16 =	sadd.s32 s12, s16;
	s14 =	smax.u32 s14, $0x1;
	s18 =	simm.s32 $0x18000  }
0xf: {  	s5 =	sadd.s32 s22, s1;
	s6 =	sadd.s32 s23, s1;
	s7 =	sadd.s32 s24, s1  }
0x10: {  	s8 =	sadd.s32 s17, s1;
	s9 =	sadd.s32 s13, s25;
	s28 =	sshll.u32 s26, $0x4  }
0x11: {  	s30 =	sshll.u32 s29, $0x4;
	s31 =	sshll.u32 s11, $0x4;
	s16 =	sshll.u32 s16, $0x4  }
0x12: {  	s15 =	sadd.s32 s19, s15;
	s17 =	simm.s32 $0x1;
	s19 =	simm.s32 $0x80  }
0x13: {  	s10 =	sadd.s32 s13, s28;
	s11 =	sadd.s32 s13, s30;
	s12 =	sadd.s32 s13, s31  }
0x14: {  	v0 =	vimm.f32 $0.0e+00;
	v1 =	vimm.f32 $1.000000000e+00;
	s13 =	sadd.s32 s13, s16;
	s15 =	sadd.s32 $0x1C00, s15;
	s16 =	simm.s32 $0x14000  }
.LBB2_1:
0x15: {  	s21 =	simm.s32 $0x0;
	s22 =	simm.s32 $0x200  }
.LBB2_2:
0x16: {  	p0 =	sne.s32 s22, $0xFE00;
	[tilespmem:s21+$0x14070] =	vst v0  }
0x17: {  	[tilespmem:s21+$0x14000] =	vst v0  }
0x18: {  	[tilespmem:s21+$0x14010] =	vst v0  }
.Ltmp0:
0x19: {  	[tilespmem:s21+$0x14020] =	vst v0;
	(pc) =	sbr.rel @p0 .LBB2_2-.Ltmp0, $4  }
0x1a: {  	[tilespmem:s21+$0x14030] =	vst v0  }
0x1b: {  	[tilespmem:s21+$0x14040] =	vst v0  }
0x1c: {  	[tilespmem:s21+$0x14050] =	vst v0  }
0x1d: {  	[tilespmem:s21+$0x14060] =	vst v0;
	s21 =	sshra.s32 s22, $0x2;
	s22 =	sadd.s32 $0x200, s22  }
0x1e: {  	[tilespmem:s21+$0x14070] =	vst v0  }
0x1f: {  	[tilespmem:s21+$0x14000] =	vst v0  }
0x20: {  	[tilespmem:s21+$0x14010] =	vst v0  }
0x21: {  	[tilespmem:s21+$0x14020] =	vst v0  }
0x22: {  	[tilespmem:s21+$0x14030] =	vst v0  }
0x23: {  	[tilespmem:s21+$0x14040] =	vst v0  }
0x24: {  	[tilespmem:s21+$0x14050] =	vst v0  }
0x25: {  	[tilespmem:s21+$0x14060] =	vst v0  }
0x26: {  	[spmem:s4] =	stream.linear.scatter [tilespmem:s16], [sflag:$0x1], $0x4000, $0x38;
	[tilespmem:$0x18080] =	vst v63  }
0x27: {  	_ =	swait.ge [sflag:s17], $0x4000  }
0x28: {  	[sflag:s17] =	ssyncset.done $0x0  }
0x29: {  	[sflag:s17] =	ssyncadd.s32 $0xFFFFC000  }
0x2a: {  	[spmem:s5] =	stream.linear.scatter [tilespmem:s16], [sflag:$0x1], $0x4000, $0x38;
	[tilespmem:$0x18080] =	vst v63  }
0x2b: {  	_ =	swait.ge [sflag:s17], $0x4000  }
0x2c: {  	[sflag:s17] =	ssyncset.done $0x0  }
0x2d: {  	[sflag:s17] =	ssyncadd.s32 $0xFFFFC000  }
0x2e: {  	[spmem:s6] =	stream.linear.scatter [tilespmem:s16], [sflag:$0x1], $0x4000, $0x38;
	[tilespmem:$0x18080] =	vst v63  }
0x2f: {  	_ =	swait.ge [sflag:s17], $0x4000  }
0x30: {  	[sflag:s17] =	ssyncset.done $0x0  }
0x31: {  	[sflag:s17] =	ssyncadd.s32 $0xFFFFC000  }
0x32: {  	[spmem:s7] =	stream.linear.scatter [tilespmem:s16], [sflag:$0x1], $0x4000, $0x38;
	[tilespmem:$0x18080] =	vst v63  }
0x33: {  	_ =	swait.ge [sflag:s17], $0x4000  }
0x34: {  	[sflag:s17] =	ssyncset.done $0x0  }
0x35: {  	[sflag:s17] =	ssyncadd.s32 $0xFFFFC000  }
0x36: {  	[spmem:s8] =	stream.linear.scatter [tilespmem:s16], [sflag:$0x1], $0x4000, $0x38;
	[tilespmem:$0x18080] =	vst v63  }
0x37: {  	_ =	swait.ge [sflag:s17], $0x4000  }
0x38: {  	[sflag:s17] =	ssyncset.done $0x0  }
0x39: {  	s21 =	simm.s32 $0x0;
	s22 =	simm.s32 $0x200;
	[sflag:s17] =	ssyncadd.s32 $0xFFFFC000  }
.LBB2_4:
0x3a: {  	p0 =	sne.s32 s22, $0xFE00;
	[tilespmem:s21+$0x14070] =	vst v1  }
0x3b: {  	[tilespmem:s21+$0x14000] =	vst v1  }
0x3c: {  	[tilespmem:s21+$0x14010] =	vst v1  }
.Ltmp1:
0x3d: {  	[tilespmem:s21+$0x14020] =	vst v1;
	(pc) =	sbr.rel @p0 .LBB2_4-.Ltmp1, $4  }
0x3e: {  	[tilespmem:s21+$0x14030] =	vst v1  }
0x3f: {  	[tilespmem:s21+$0x14040] =	vst v1  }
0x40: {  	[tilespmem:s21+$0x14050] =	vst v1  }
0x41: {  	[tilespmem:s21+$0x14060] =	vst v1;
	s21 =	sshra.s32 s22, $0x2;
	s22 =	sadd.s32 $0x200, s22  }
0x42: {  	[tilespmem:s21+$0x14070] =	vst v1  }
0x43: {  	[tilespmem:s21+$0x14000] =	vst v1  }
0x44: {  	[tilespmem:s21+$0x14010] =	vst v1  }
0x45: {  	[tilespmem:s21+$0x14020] =	vst v1  }
0x46: {  	[tilespmem:s21+$0x14030] =	vst v1  }
0x47: {  	[tilespmem:s21+$0x14040] =	vst v1  }
0x48: {  	[tilespmem:s21+$0x14050] =	vst v1  }
0x49: {  	[tilespmem:s21+$0x14060] =	vst v1  }
0x4a: {  	s31 =	sadd.s32 $0x0, s15;
	[bflag:$0x0] =	sbarrier.arrive $0xFFFF  }
0x4b: {  	[tilespmem:s18], [sflag:$0x1] =	stream.linear.gather [hbm4b:s31+s2], $0x80, $0x38;
	[tilespmem:$0x18080] =	vst v63  }
0x4c: {  	_ =	swait.ge [sflag:s17], $0x80  }
0x4d: {  	[sflag:s17] =	ssyncset.done $0x0  }
0x4e: {  	[sflag:s17] =	ssyncadd.s32 $0xFFFFFF80  }
0x4f: {  	[spmem:s1] =	stream.indirect.scatter.add.f32 [tilespmem:s16], [sflag:$0x1], $0x80, s18, s19, $0xb8;
	[tilespmem:$0x18080] =	vst v63  }
0x50: {  	_ =	swait.ge [sflag:s17], $0x4000  }
0x51: {  	s21 =	simm.s32 $0x10;
	s22 =	simm.s32 $0x20;
	[sflag:s17] =	ssyncset.done $0x0  }
.LBB2_6:
0x52: {  	s23 =	sadd.s32 s21, s15  }
0x53: {  	[sflag:s17] =	ssyncadd.s32 $0xFFFFC000;
	s21 =	smov.u32 s22;
	s24 =	sadd.s32 $0x10, s22  }
0x54: {  	[tilespmem:s18], [sflag:$0x1] =	stream.linear.gather [hbm4b:s23+s2], $0x80, $0x38;
	[tilespmem:$0x18080] =	vst v63  }
0x55: {  	p0 =	sne.s32 s22, $0x4E0;
	_ =	swait.ge [sflag:s17], $0x80  }
.Ltmp2:
0x56: {  	[sflag:s17] =	ssyncset.done $0x0;
	(pc) =	sbr.rel @p0 .LBB2_6-.Ltmp2, $4  }
0x57: {  	[sflag:s17] =	ssyncadd.s32 $0xFFFFFF80  }
0x58: {  	[spmem:s1] =	stream.indirect.scatter.add.f32 [tilespmem:s16], [sflag:$0x1], $0x80, s18, s19, $0xb8;
	[tilespmem:$0x18080] =	vst v63  }
0x59: {  	_ =	swait.ge [sflag:s17], $0x4000  }
0x5a: {  	s22 =	smov.u32 s24;
	[sflag:s17] =	ssyncset.done $0x0  }
0x5b: {  	s21 =	sadd.s32 s21, s15;
	[sflag:s17] =	ssyncadd.s32 $0xFFFFC000  }
0x5c: {  	[tilespmem:s18], [sflag:$0x1] =	stream.linear.gather [hbm4b:s21+s2], $0x80, $0x38;
	[tilespmem:$0x18080] =	vst v63  }
0x5d: {  	_ =	swait.ge [sflag:s17], $0x80  }
0x5e: {  	[sflag:s17] =	ssyncset.done $0x0  }
0x5f: {  	[sflag:s17] =	ssyncadd.s32 $0xFFFFFF80  }
0x60: {  	[spmem:s1] =	stream.indirect.scatter.add.f32 [tilespmem:s16], [sflag:$0x1], $0x80, s18, s19, $0xb8;
	[tilespmem:$0x18080] =	vst v63  }
0x61: {  	_ =	swait.ge [sflag:s17], $0x4000  }
0x62: {  	[sflag:s17] =	ssyncset.done $0x0  }
0x63: {  	s26 =	sshll.u32 s3, $0x6;
	[sflag:s17] =	ssyncadd.s32 $0xFFFFC000  }
0x64: {  	s22 =	sshrl.u32 s4, $0x3;
	s21 =	sor.u32 $0x1C01, s26;
	[bflag:$0x0] =	sbarrier.arrive $0xFFFF  }
0x65: {  	[hbm:s9], [sflag:s21] =	dma.local [spmem:s22], $0x800  }
0x66: {  	_ =	swait.ge [sflag:s17], $0x800  }
0x67: {  	[sflag:s17] =	ssyncset.done $0x0  }
0x68: {  	s28 =	sshrl.u32 s5, $0x3;
	[sflag:s17] =	ssyncadd.s32 $0xFFFFF800  }
0x69: {  	[hbm:s10], [sflag:s21] =	dma.local [spmem:s28], $0x800  }
0x6a: {  	_ =	swait.ge [sflag:s17], $0x800  }
0x6b: {  	[sflag:s17] =	ssyncset.done $0x0  }
0x6c: {  	s29 =	sshrl.u32 s6, $0x3;
	[sflag:s17] =	ssyncadd.s32 $0xFFFFF800  }
0x6d: {  	[hbm:s11], [sflag:s21] =	dma.local [spmem:s29], $0x800  }
0x6e: {  	_ =	swait.ge [sflag:s17], $0x800  }
0x6f: {  	[sflag:s17] =	ssyncset.done $0x0  }
0x70: {  	s30 =	sshrl.u32 s7, $0x3;
	[sflag:s17] =	ssyncadd.s32 $0xFFFFF800  }
0x71: {  	[hbm:s12], [sflag:s21] =	dma.local [spmem:s30], $0x800  }
0x72: {  	s20 =	sadd.s32 $0x1, s20;
	_ =	swait.ge [sflag:s17], $0x800  }
0x73: {  	p0 =	sne.s32 s20, s14;
	[sflag:s17] =	ssyncset.done $0x0  }
.Ltmp3:
0x74: {  	s31 =	sshrl.u32 s8, $0x3;
	[sflag:s17] =	ssyncadd.s32 $0xFFFFF800;
	(pc) =	sbr.rel @p0 .LBB2_1-.Ltmp3, $4  }
0x75: {  	[hbm:s13], [sflag:s21] =	dma.local [spmem:s31], $0x800  }
0x76: {  	_ =	swait.ge [sflag:s17], $0x800  }
0x77: {  	[sflag:s17] =	ssyncset.done $0x0  }
0x78: {  	[sflag:s17] =	ssyncadd.s32 $0xFFFFF800  }
0x79: {  	_ =	sfence.sel $0x180000  }
0x7a: {  	[bflag:$0x0] =	sbarrier.arrive $0xFFFF  }
0x7b: {  	p0 =	sne.s32 s3, $0x0;
	_ =	strace $0x90000047  }
0x7c: {  	s0 =	sadd.s32 @!p0 $0x100000, s0;
	[bflag:$0x2] =	sbarrier.arrive $0xFFFF  }
0x7d: {  	[sflag:s0] =	ssyncadd.tile.s32 @!p0 $0x1;
	_ =	shalt  }
.Lfunc_end2:
_tile_overlayer_lowered:
.L_overlay_start_2:
0x7e: {  	(tag) =	ssettag $0x2  }
0x7f: {  	s0 =	rddreg [dreg:$0x0];
	s2 =	stileid.u32  }
0x80: {  	s1 =	rddreg [dreg:$0x1];
	p0 =	sne.s32 s2, $0x0  }
0x81: {  	s3 =	rddreg [dreg:$0x2];
	[bflag:$0x3] =	sbarrier.arrive $0xFFFF;
	s2 =	simm.s32 @!p0 $0x1C01  }
0x82: {  	[timem:s3], [sflag:s2] =	dma.local @!p0 [hbm:s0], s1  }
0x83: {  	s0 =	simm.s32 @!p0 $0x1  }
0x84: {  	_ =	swait.ge @!p0 [sflag:s0], s1  }
0x85: {  	s1 =	ssub.s32 @!p0 $0x0, s1;
	[sflag:s0] =	ssyncset.done @!p0 $0x0  }
0x86: {  	[sflag:s0] =	ssyncadd.s32 @!p0 s1  }
0x87: {  	[bflag:$0x3] =	sbarrier.arrive $0xFFFF  }
0x88: {  	_ =	shalt  }

</sc_bundles>
